<compile_context>
chip_gen: v7x
topology: tpu7x:2x2x1
jax: 0.10.2.dev20260603
libtpu: 0.0.44.dev20260713+nightly
codegen_flags: <defaults>
</compile_context>

<pallas_src>
import functools

import jax
import jax.numpy as jnp
from jax import lax
from jax.experimental import pallas as pl
from jax.experimental.pallas import tpu as pltpu
from jax.experimental.pallas import tpu_sc as plsc

_N = 100000
_NSEG = 128
_NW = 16
_CH = 6272
_LAST_CH = _N - (_NW - 1) * _CH
_BINS = _NSEG + 16


def _make_sc_call():
    mesh = plsc.VectorSubcoreMesh(
        core_axis_name="c", subcore_axis_name="s", num_cores=1)

    @functools.partial(
        pl.kernel,
        mesh=mesh,
        out_type=jax.ShapeDtypeStruct((16,), jnp.float32),
        compiler_params=pltpu.CompilerParams(needs_layout_passes=False),
        scratch_types=[
            pltpu.VMEM((_CH,), jnp.float32),
            pltpu.VMEM((_CH,), jnp.float32),
            pltpu.VMEM((_CH,), jnp.int32),
            pltpu.VMEM((_BINS,), jnp.float32),
            pltpu.VMEM((_BINS,), jnp.float32),
            pltpu.VMEM((_NW * 2 * _BINS,), jnp.float32),
            pltpu.VMEM((16,), jnp.float32),
            pltpu.VMEM_SHARED((_NW * 2 * _BINS,), jnp.float32),
            pltpu.SemaphoreType.DMA,
            pltpu.SemaphoreType.DMA,
            pltpu.SemaphoreType.DMA,
        ],
    )
    def sc_loss(pred_hbm, targ_hbm, batch_hbm, out_hbm,
                pred_v, targ_v, batch_v, sums_v, cnts_v, red_v, out_v,
                stage_sh, sem1, sem2, sem3):
        w = lax.axis_index("s")
        base = w * _CH

        zeros16 = jnp.zeros((16,), jnp.float32)
        ones16 = jnp.ones((16,), jnp.float32)
        lane = lax.iota(jnp.int32, 16)

        for j in range(_BINS // 16):
            s = pl.ds(j * 16, 16)
            sums_v[s] = zeros16
            cnts_v[s] = zeros16

        def stage(n):
            dst = pl.ds(0, n)
            c1 = pltpu.async_copy(pred_hbm.at[pl.ds(base, n)], pred_v.at[dst], sem1)
            c2 = pltpu.async_copy(targ_hbm.at[pl.ds(base, n)], targ_v.at[dst], sem2)
            c3 = pltpu.async_copy(batch_hbm.at[pl.ds(base, n)], batch_v.at[dst], sem3)
            c1.wait()
            c2.wait()
            c3.wait()

        @pl.when(w != _NW - 1)
        def _stage_full():
            stage(_CH)

        @pl.when(w == _NW - 1)
        def _stage_tail():
            stage(_LAST_CH)

        def accumulate(n_vregs):
            lane_base = lane * n_vregs

            def body(i, carry):
                idx = lane_base + i
                p = plsc.load_gather(pred_v, [idx])
                t = plsc.load_gather(targ_v, [idx])
                b = plsc.load_gather(batch_v, [idx])
                v = jnp.abs(p * p - t * t)
                plsc.addupdate_scatter(sums_v, [b], v)
                plsc.addupdate_scatter(cnts_v, [b], ones16)
                return carry
            lax.fori_loop(0, n_vregs, body, 0, unroll=4)

        @pl.when(w != _NW - 1)
        def _accum_full():
            accumulate(_CH // 16)

        @pl.when(w == _NW - 1)
        def _accum_tail():
            accumulate(_LAST_CH // 16)

        woff = w * (2 * _BINS)
        pltpu.sync_copy(sums_v, stage_sh.at[pl.ds(woff, _BINS)])
        pltpu.sync_copy(cnts_v, stage_sh.at[pl.ds(woff + _BINS, _BINS)])
        plsc.subcore_barrier()

        @pl.when(w == _NW - 1)
        def _finalize():
            pltpu.sync_copy(stage_sh, red_v)
            for j in range(_NSEG // 16):
                s = pl.ds(j * 16, 16)
                acc_s = zeros16
                acc_c = zeros16
                for t in range(_NW):
                    toff = t * (2 * _BINS)
                    acc_s = acc_s + red_v[pl.ds(toff + j * 16, 16)]
                    acc_c = acc_c + red_v[pl.ds(toff + _BINS + j * 16, 16)]
                sums_v[s] = acc_s
                cnts_v[s] = acc_c
            last_vec = batch_v[pl.ds(_LAST_CH - 16, 16)]
            max_b = last_vec[15]
            tot = zeros16
            for j in range(_NSEG // 16):
                s = pl.ds(j * 16, 16)
                losses = sums_v[s] / cnts_v[s]
                valid = (lane + (j * 16)) <= max_b
                tot = tot + jnp.where(valid, losses, zeros16)
            total_vec = zeros16 + plsc.cumsum(tot)[15]
            n_graphs = zeros16 + (max_b + 1).astype(jnp.float32)
            out_v[...] = (total_vec / n_graphs) * 10000.0
            pltpu.sync_copy(out_v, out_hbm)

    return sc_loss


_sc_call = _make_sc_call()


@jax.jit
def kernel(pred, target, batch, x):
    del x
    return _sc_call(pred, target, batch)[0]

# --- scband reference (transcript-rebuilt; emitter-appended) ---
"""Pipeline reference for scband-graph-mseloss-40346922778985 (READ-ONLY COPY).

The authoritative reference and input builder live on the scoring server;
editing this copy changes nothing except your own understanding.
"""

import jax, jax.numpy as jnp
import numpy as np


def setup_inputs(seed: int = 0) -> dict:
    key = jax.random.key(seed)
    k1, k2, k3, k4 = jax.random.split(key, 4)
    N = 100000
    num_graphs = 128
    pred = jax.random.normal(k1, (N,), dtype=jnp.float32)
    target = jax.random.normal(k2, (N,), dtype=jnp.float32)
    batch = jnp.sort(jax.random.randint(k3, (N,), 0, num_graphs, dtype=jnp.int32))
    x = jax.random.normal(k4, (N, 128), dtype=jnp.float32)
    return {"pred": pred, "target": target, "batch": batch, "x": x}


def reference(pred, target, batch, x):
    # num_graphs = batch.max().item() + 1
    max_segments = x.shape[1]  # static upper bound: batch drawn from [0, 128)
    max_batch = jnp.max(batch)
    num_graphs = max_batch + 1
    # per-graph mean of |pred^2 - target^2| via segment reductions
    vals = jnp.abs(pred ** 2 - target ** 2)
    sums = jax.ops.segment_sum(vals, batch, num_segments=max_segments)
    counts = jax.ops.segment_sum(jnp.ones_like(vals), batch, num_segments=max_segments)
    graph_losses = sums / counts
    valid = jnp.arange(max_segments) <= max_batch
    total = jnp.sum(jnp.where(valid, graph_losses, jnp.zeros_like(graph_losses)))
    return (total / num_graphs.astype(graph_losses.dtype)) * 10000.0

if __name__ == "__main__":
    import jax
    _d = setup_inputs()
    print(jax.jit(kernel)(*tuple(_d.values())))

</pallas_src>

<mosaic_0001>
#map = affine_map<(d0, d1) -> (0)>
module attributes {stable_mosaic.version = 14 : i64} {
  func.func @sc_loss(%arg0: i32, %arg1: i32, %arg2: memref<100000xf32, #tpu.memory_space<hbm>>, %arg3: memref<100000xf32, #tpu.memory_space<hbm>>, %arg4: memref<100000xi32, #tpu.memory_space<hbm>>, %arg5: memref<16xf32, #tpu.memory_space<hbm>>, %arg6: memref<6272xf32, #tpu.memory_space<vmem>>, %arg7: memref<6272xf32, #tpu.memory_space<vmem>>, %arg8: memref<6272xi32, #tpu.memory_space<vmem>>, %arg9: memref<144xf32, #tpu.memory_space<vmem>>, %arg10: memref<144xf32, #tpu.memory_space<vmem>>, %arg11: memref<4608xf32, #tpu.memory_space<vmem>>, %arg12: memref<16xf32, #tpu.memory_space<vmem>>, %arg13: memref<4608xf32, #tpu.memory_space<vmem_shared>>, %arg14: memref<!tpu.dma_semaphore, #tpu.memory_space<semaphore_mem>>, %arg15: memref<!tpu.dma_semaphore, #tpu.memory_space<semaphore_mem>>, %arg16: memref<!tpu.dma_semaphore, #tpu.memory_space<semaphore_mem>>) attributes {dimension_semantics = [#tpu.dimension_semantics<core_parallel>, #tpu.dimension_semantics<subcore_parallel>], iteration_bounds = array<i64: 1, 16>, scalar_prefetch = 0 : i64, scratch_operands = 11 : i64, tpu.core_type = #tpu.core_type<sc_vector_subcore>, window_params = [{transform_indices = #map}, {transform_indices = #map}, {transform_indices = #map}, {transform_indices = #map}]} {
    %mul3A = arith.constant 6272 : i32
    %mul3A_0 = arith.muli %arg1, %mul3A : i32
    %broadcast_in_dim3A = arith.constant 0.000000e+00 : f32
    %broadcast_in_dim3A_1 = vector.broadcast %broadcast_in_dim3A : f32 to vector<16xf32>
    %broadcast_in_dim3A_2 = arith.constant 1.000000e+00 : f32
    %broadcast_in_dim3A_3 = vector.broadcast %broadcast_in_dim3A_2 : f32 to vector<16xf32>
    %iota3A = tpu.iota {dimensions = array<i32: 0>} : vector<16xi32>
    %swap3A = arith.constant 0 : index
    %swap3A_4 = tpu.vector_load %arg9[%swap3A] {strides = array<i32>} : memref<144xf32, #tpu.memory_space<vmem>>, vector<16xf32>,
    tpu.vector_store %arg9[%swap3A], %broadcast_in_dim3A_1 {strides = array<i32>} : memref<144xf32, #tpu.memory_space<vmem>>, vector<16xf32>,
    %swap3A_5 = arith.constant 0 : index
    %swap3A_6 = tpu.vector_load %arg10[%swap3A_5] {strides = array<i32>} : memref<144xf32, #tpu.memory_space<vmem>>, vector<16xf32>,
    tpu.vector_store %arg10[%swap3A_5], %broadcast_in_dim3A_1 {strides = array<i32>} : memref<144xf32, #tpu.memory_space<vmem>>, vector<16xf32>,
    %swap3A_7 = arith.constant 16 : index
    %swap3A_8 = tpu.vector_load %arg9[%swap3A_7] {strides = array<i32>} : memref<144xf32, #tpu.memory_space<vmem>>, vector<16xf32>,
    tpu.vector_store %arg9[%swap3A_7], %broadcast_in_dim3A_1 {strides = array<i32>} : memref<144xf32, #tpu.memory_space<vmem>>, vector<16xf32>,
    %swap3A_9 = arith.constant 16 : index
    %swap3A_10 = tpu.vector_load %arg10[%swap3A_9] {strides = array<i32>} : memref<144xf32, #tpu.memory_space<vmem>>, vector<16xf32>,
    tpu.vector_store %arg10[%swap3A_9], %broadcast_in_dim3A_1 {strides = array<i32>} : memref<144xf32, #tpu.memory_space<vmem>>, vector<16xf32>,
    %swap3A_11 = arith.constant 32 : index
    %swap3A_12 = tpu.vector_load %arg9[%swap3A_11] {strides = array<i32>} : memref<144xf32, #tpu.memory_space<vmem>>, vector<16xf32>,
    tpu.vector_store %arg9[%swap3A_11], %broadcast_in_dim3A_1 {strides = array<i32>} : memref<144xf32, #tpu.memory_space<vmem>>, vector<16xf32>,
    %swap3A_13 = arith.constant 32 : index
    %swap3A_14 = tpu.vector_load %arg10[%swap3A_13] {strides = array<i32>} : memref<144xf32, #tpu.memory_space<vmem>>, vector<16xf32>,
    tpu.vector_store %arg10[%swap3A_13], %broadcast_in_dim3A_1 {strides = array<i32>} : memref<144xf32, #tpu.memory_space<vmem>>, vector<16xf32>,
    %swap3A_15 = arith.constant 48 : index
    %swap3A_16 = tpu.vector_load %arg9[%swap3A_15] {strides = array<i32>} : memref<144xf32, #tpu.memory_space<vmem>>, vector<16xf32>,
    tpu.vector_store %arg9[%swap3A_15], %broadcast_in_dim3A_1 {strides = array<i32>} : memref<144xf32, #tpu.memory_space<vmem>>, vector<16xf32>,
    %swap3A_17 = arith.constant 48 : index
    %swap3A_18 = tpu.vector_load %arg10[%swap3A_17] {strides = array<i32>} : memref<144xf32, #tpu.memory_space<vmem>>, vector<16xf32>,
    tpu.vector_store %arg10[%swap3A_17], %broadcast_in_dim3A_1 {strides = array<i32>} : memref<144xf32, #tpu.memory_space<vmem>>, vector<16xf32>,
    %swap3A_19 = arith.constant 64 : index
    %swap3A_20 = tpu.vector_load %arg9[%swap3A_19] {strides = array<i32>} : memref<144xf32, #tpu.memory_space<vmem>>, vector<16xf32>,
    tpu.vector_store %arg9[%swap3A_19], %broadcast_in_dim3A_1 {strides = array<i32>} : memref<144xf32, #tpu.memory_space<vmem>>, vector<16xf32>,
    %swap3A_21 = arith.constant 64 : index
    %swap3A_22 = tpu.vector_load %arg10[%swap3A_21] {strides = array<i32>} : memref<144xf32, #tpu.memory_space<vmem>>, vector<16xf32>,
    tpu.vector_store %arg10[%swap3A_21], %broadcast_in_dim3A_1 {strides = array<i32>} : memref<144xf32, #tpu.memory_space<vmem>>, vector<16xf32>,
    %swap3A_23 = arith.constant 80 : index
    %swap3A_24 = tpu.vector_load %arg9[%swap3A_23] {strides = array<i32>} : memref<144xf32, #tpu.memory_space<vmem>>, vector<16xf32>,
    tpu.vector_store %arg9[%swap3A_23], %broadcast_in_dim3A_1 {strides = array<i32>} : memref<144xf32, #tpu.memory_space<vmem>>, vector<16xf32>,
    %swap3A_25 = arith.constant 80 : index
    %swap3A_26 = tpu.vector_load %arg10[%swap3A_25] {strides = array<i32>} : memref<144xf32, #tpu.memory_space<vmem>>, vector<16xf32>,
    tpu.vector_store %arg10[%swap3A_25], %broadcast_in_dim3A_1 {strides = array<i32>} : memref<144xf32, #tpu.memory_space<vmem>>, vector<16xf32>,
    %swap3A_27 = arith.constant 96 : index
    %swap3A_28 = tpu.vector_load %arg9[%swap3A_27] {strides = array<i32>} : memref<144xf32, #tpu.memory_space<vmem>>, vector<16xf32>,
    tpu.vector_store %arg9[%swap3A_27], %broadcast_in_dim3A_1 {strides = array<i32>} : memref<144xf32, #tpu.memory_space<vmem>>, vector<16xf32>,
    %swap3A_29 = arith.constant 96 : index
    %swap3A_30 = tpu.vector_load %arg10[%swap3A_29] {strides = array<i32>} : memref<144xf32, #tpu.memory_space<vmem>>, vector<16xf32>,
    tpu.vector_store %arg10[%swap3A_29], %broadcast_in_dim3A_1 {strides = array<i32>} : memref<144xf32, #tpu.memory_space<vmem>>, vector<16xf32>,
    %swap3A_31 = arith.constant 112 : index
    %swap3A_32 = tpu.vector_load %arg9[%swap3A_31] {strides = array<i32>} : memref<144xf32, #tpu.memory_space<vmem>>, vector<16xf32>,
    tpu.vector_store %arg9[%swap3A_31], %broadcast_in_dim3A_1 {strides = array<i32>} : memref<144xf32, #tpu.memory_space<vmem>>, vector<16xf32>,
    %swap3A_33 = arith.constant 112 : index
    %swap3A_34 = tpu.vector_load %arg10[%swap3A_33] {strides = array<i32>} : memref<144xf32, #tpu.memory_space<vmem>>, vector<16xf32>,
    tpu.vector_store %arg10[%swap3A_33], %broadcast_in_dim3A_1 {strides = array<i32>} : memref<144xf32, #tpu.memory_space<vmem>>, vector<16xf32>,
    %swap3A_35 = arith.constant 128 : index
    %swap3A_36 = tpu.vector_load %arg9[%swap3A_35] {strides = array<i32>} : memref<144xf32, #tpu.memory_space<vmem>>, vector<16xf32>,
    tpu.vector_store %arg9[%swap3A_35], %broadcast_in_dim3A_1 {strides = array<i32>} : memref<144xf32, #tpu.memory_space<vmem>>, vector<16xf32>,
    %swap3A_37 = arith.constant 128 : index
    %swap3A_38 = tpu.vector_load %arg10[%swap3A_37] {strides = array<i32>} : memref<144xf32, #tpu.memory_space<vmem>>, vector<16xf32>,
    tpu.vector_store %arg10[%swap3A_37], %broadcast_in_dim3A_1 {strides = array<i32>} : memref<144xf32, #tpu.memory_space<vmem>>, vector<16xf32>,
    %ne3A = arith.constant 15 : i32
    %ne3A_39 = arith.cmpi ne, %arg1, %ne3A : i32
    %convert_element_type3A = arith.extui %ne3A_39 : i1 to i32
    %cond3A = arith.constant 0 : i32
    %cond3A_40 = arith.cmpi ne, %convert_element_type3A, %cond3A : i32
    scf.if %cond3A_40 {
      %dma_start3A = arith.constant 0 : i32
      %dma_start3A_63 = tpu.memref_slice %arg6[%dma_start3A] : memref<6272xf32, #tpu.memory_space<vmem>> -> memref<6272xf32, #tpu.memory_space<vmem>>
      %dma_start3A_64 = tpu.memref_slice %arg2[%mul3A_0] : memref<100000xf32, #tpu.memory_space<hbm>> -> memref<6272xf32, #tpu.memory_space<hbm>>
      %dma_start3A_65 = arith.constant 0 : i32
      %dma_start3A_66 = tpu.memref_slice %arg6[%dma_start3A_65] : memref<6272xf32, #tpu.memory_space<vmem>> -> memref<6272xf32, #tpu.memory_space<vmem>>
      %dma_start3A_67 = tpu.memref_slice %arg2[%mul3A_0] : memref<100000xf32, #tpu.memory_space<hbm>> -> memref<6272xf32, #tpu.memory_space<hbm>>
      tpu.enqueue_dma source(%dma_start3A_67 : memref<6272xf32, #tpu.memory_space<hbm>>) target(%dma_start3A_66 : memref<6272xf32, #tpu.memory_space<vmem>>) target_semaphore(%arg14 : memref<!tpu.dma_semaphore, #tpu.memory_space<semaphore_mem>>)
      %dma_start3A_68 = arith.constant 0 : i32
      %dma_start3A_69 = tpu.memref_slice %arg7[%dma_start3A_68] : memref<6272xf32, #tpu.memory_space<vmem>> -> memref<6272xf32, #tpu.memory_space<vmem>>
      %dma_start3A_70 = tpu.memref_slice %arg3[%mul3A_0] : memref<100000xf32, #tpu.memory_space<hbm>> -> memref<6272xf32, #tpu.memory_space<hbm>>
      %dma_start3A_71 = arith.constant 0 : i32
      %dma_start3A_72 = tpu.memref_slice %arg7[%dma_start3A_71] : memref<6272xf32, #tpu.memory_space<vmem>> -> memref<6272xf32, #tpu.memory_space<vmem>>
      %dma_start3A_73 = tpu.memref_slice %arg3[%mul3A_0] : memref<100000xf32, #tpu.memory_space<hbm>> -> memref<6272xf32, #tpu.memory_space<hbm>>
      tpu.enqueue_dma source(%dma_start3A_73 : memref<6272xf32, #tpu.memory_space<hbm>>) target(%dma_start3A_72 : memref<6272xf32, #tpu.memory_space<vmem>>) target_semaphore(%arg15 : memref<!tpu.dma_semaphore, #tpu.memory_space<semaphore_mem>>)
      %dma_start3A_74 = arith.constant 0 : i32
      %dma_start3A_75 = tpu.memref_slice %arg8[%dma_start3A_74] : memref<6272xi32, #tpu.memory_space<vmem>> -> memref<6272xi32, #tpu.memory_space<vmem>>
      %dma_start3A_76 = tpu.memref_slice %arg4[%mul3A_0] : memref<100000xi32, #tpu.memory_space<hbm>> -> memref<6272xi32, #tpu.memory_space<hbm>>
      %dma_start3A_77 = arith.constant 0 : i32
      %dma_start3A_78 = tpu.memref_slice %arg8[%dma_start3A_77] : memref<6272xi32, #tpu.memory_space<vmem>> -> memref<6272xi32, #tpu.memory_space<vmem>>
      %dma_start3A_79 = tpu.memref_slice %arg4[%mul3A_0] : memref<100000xi32, #tpu.memory_space<hbm>> -> memref<6272xi32, #tpu.memory_space<hbm>>
      tpu.enqueue_dma source(%dma_start3A_79 : memref<6272xi32, #tpu.memory_space<hbm>>) target(%dma_start3A_78 : memref<6272xi32, #tpu.memory_space<vmem>>) target_semaphore(%arg16 : memref<!tpu.dma_semaphore, #tpu.memory_space<semaphore_mem>>)
      %dma_wait3A = arith.constant 0 : i32
      %dma_wait3A_80 = tpu.memref_slice %arg6[%dma_wait3A] : memref<6272xf32, #tpu.memory_space<vmem>> -> memref<6272xf32, #tpu.memory_space<vmem>>
      %dma_wait3A_81 = tpu.memref_slice %arg2[%mul3A_0] : memref<100000xf32, #tpu.memory_space<hbm>> -> memref<6272xf32, #tpu.memory_space<hbm>>
      %dma_wait3A_82 = arith.constant 0 : i32
      %dma_wait3A_83 = tpu.memref_slice %arg6[%dma_wait3A_82] : memref<6272xf32, #tpu.memory_space<vmem>> -> memref<6272xf32, #tpu.memory_space<vmem>>
      %dma_wait3A_84 = tpu.memref_slice %arg2[%mul3A_0] : memref<100000xf32, #tpu.memory_space<hbm>> -> memref<6272xf32, #tpu.memory_space<hbm>>
      tpu.wait_dma2 semaphore(%arg14 : memref<!tpu.dma_semaphore, #tpu.memory_space<semaphore_mem>>) src(%dma_wait3A_84 : memref<6272xf32, #tpu.memory_space<hbm>>) dst(%dma_wait3A_83 : memref<6272xf32, #tpu.memory_space<vmem>>)
      %dma_wait3A_85 = arith.constant 0 : i32
      %dma_wait3A_86 = tpu.memref_slice %arg7[%dma_wait3A_85] : memref<6272xf32, #tpu.memory_space<vmem>> -> memref<6272xf32, #tpu.memory_space<vmem>>
      %dma_wait3A_87 = tpu.memref_slice %arg3[%mul3A_0] : memref<100000xf32, #tpu.memory_space<hbm>> -> memref<6272xf32, #tpu.memory_space<hbm>>
      %dma_wait3A_88 = arith.constant 0 : i32
      %dma_wait3A_89 = tpu.memref_slice %arg7[%dma_wait3A_88] : memref<6272xf32, #tpu.memory_space<vmem>> -> memref<6272xf32, #tpu.memory_space<vmem>>
      %dma_wait3A_90 = tpu.memref_slice %arg3[%mul3A_0] : memref<100000xf32, #tpu.memory_space<hbm>> -> memref<6272xf32, #tpu.memory_space<hbm>>
      tpu.wait_dma2 semaphore(%arg15 : memref<!tpu.dma_semaphore, #tpu.memory_space<semaphore_mem>>) src(%dma_wait3A_90 : memref<6272xf32, #tpu.memory_space<hbm>>) dst(%dma_wait3A_89 : memref<6272xf32, #tpu.memory_space<vmem>>)
      %dma_wait3A_91 = arith.constant 0 : i32
      %dma_wait3A_92 = tpu.memref_slice %arg8[%dma_wait3A_91] : memref<6272xi32, #tpu.memory_space<vmem>> -> memref<6272xi32, #tpu.memory_space<vmem>>
      %dma_wait3A_93 = tpu.memref_slice %arg4[%mul3A_0] : memref<100000xi32, #tpu.memory_space<hbm>> -> memref<6272xi32, #tpu.memory_space<hbm>>
      %dma_wait3A_94 = arith.constant 0 : i32
      %dma_wait3A_95 = tpu.memref_slice %arg8[%dma_wait3A_94] : memref<6272xi32, #tpu.memory_space<vmem>> -> memref<6272xi32, #tpu.memory_space<vmem>>
      %dma_wait3A_96 = tpu.memref_slice %arg4[%mul3A_0] : memref<100000xi32, #tpu.memory_space<hbm>> -> memref<6272xi32, #tpu.memory_space<hbm>>
      tpu.wait_dma2 semaphore(%arg16 : memref<!tpu.dma_semaphore, #tpu.memory_space<semaphore_mem>>) src(%dma_wait3A_96 : memref<6272xi32, #tpu.memory_space<hbm>>) dst(%dma_wait3A_95 : memref<6272xi32, #tpu.memory_space<vmem>>)
    } else {
    }
    %eq3A = arith.constant 15 : i32
    %eq3A_41 = arith.cmpi eq, %arg1, %eq3A : i32
    %convert_element_type3A_42 = arith.extui %eq3A_41 : i1 to i32
    %cond3A_43 = arith.constant 0 : i32
    %cond3A_44 = arith.cmpi ne, %convert_element_type3A_42, %cond3A_43 : i32
    scf.if %cond3A_44 {
      %dma_start3A = arith.constant 0 : i32
      %dma_start3A_63 = tpu.memref_slice %arg6[%dma_start3A] : memref<6272xf32, #tpu.memory_space<vmem>> -> memref<5920xf32, #tpu.memory_space<vmem>>
      %dma_start3A_64 = tpu.memref_slice %arg2[%mul3A_0] : memref<100000xf32, #tpu.memory_space<hbm>> -> memref<5920xf32, #tpu.memory_space<hbm>>
      %dma_start3A_65 = arith.constant 0 : i32
      %dma_start3A_66 = tpu.memref_slice %arg6[%dma_start3A_65] : memref<6272xf32, #tpu.memory_space<vmem>> -> memref<5920xf32, #tpu.memory_space<vmem>>
      %dma_start3A_67 = tpu.memref_slice %arg2[%mul3A_0] : memref<100000xf32, #tpu.memory_space<hbm>> -> memref<5920xf32, #tpu.memory_space<hbm>>
      tpu.enqueue_dma source(%dma_start3A_67 : memref<5920xf32, #tpu.memory_space<hbm>>) target(%dma_start3A_66 : memref<5920xf32, #tpu.memory_space<vmem>>) target_semaphore(%arg14 : memref<!tpu.dma_semaphore, #tpu.memory_space<semaphore_mem>>)
      %dma_start3A_68 = arith.constant 0 : i32
      %dma_start3A_69 = tpu.memref_slice %arg7[%dma_start3A_68] : memref<6272xf32, #tpu.memory_space<vmem>> -> memref<5920xf32, #tpu.memory_space<vmem>>
      %dma_start3A_70 = tpu.memref_slice %arg3[%mul3A_0] : memref<100000xf32, #tpu.memory_space<hbm>> -> memref<5920xf32, #tpu.memory_space<hbm>>
      %dma_start3A_71 = arith.constant 0 : i32
      %dma_start3A_72 = tpu.memref_slice %arg7[%dma_start3A_71] : memref<6272xf32, #tpu.memory_space<vmem>> -> memref<5920xf32, #tpu.memory_space<vmem>>
      %dma_start3A_73 = tpu.memref_slice %arg3[%mul3A_0] : memref<100000xf32, #tpu.memory_space<hbm>> -> memref<5920xf32, #tpu.memory_space<hbm>>
      tpu.enqueue_dma source(%dma_start3A_73 : memref<5920xf32, #tpu.memory_space<hbm>>) target(%dma_start3A_72 : memref<5920xf32, #tpu.memory_space<vmem>>) target_semaphore(%arg15 : memref<!tpu.dma_semaphore, #tpu.memory_space<semaphore_mem>>)
      %dma_start3A_74 = arith.constant 0 : i32
      %dma_start3A_75 = tpu.memref_slice %arg8[%dma_start3A_74] : memref<6272xi32, #tpu.memory_space<vmem>> -> memref<5920xi32, #tpu.memory_space<vmem>>
      %dma_start3A_76 = tpu.memref_slice %arg4[%mul3A_0] : memref<100000xi32, #tpu.memory_space<hbm>> -> memref<5920xi32, #tpu.memory_space<hbm>>
      %dma_start3A_77 = arith.constant 0 : i32
      %dma_start3A_78 = tpu.memref_slice %arg8[%dma_start3A_77] : memref<6272xi32, #tpu.memory_space<vmem>> -> memref<5920xi32, #tpu.memory_space<vmem>>
      %dma_start3A_79 = tpu.memref_slice %arg4[%mul3A_0] : memref<100000xi32, #tpu.memory_space<hbm>> -> memref<5920xi32, #tpu.memory_space<hbm>>
      tpu.enqueue_dma source(%dma_start3A_79 : memref<5920xi32, #tpu.memory_space<hbm>>) target(%dma_start3A_78 : memref<5920xi32, #tpu.memory_space<vmem>>) target_semaphore(%arg16 : memref<!tpu.dma_semaphore, #tpu.memory_space<semaphore_mem>>)
      %dma_wait3A = arith.constant 0 : i32
      %dma_wait3A_80 = tpu.memref_slice %arg6[%dma_wait3A] : memref<6272xf32, #tpu.memory_space<vmem>> -> memref<5920xf32, #tpu.memory_space<vmem>>
      %dma_wait3A_81 = tpu.memref_slice %arg2[%mul3A_0] : memref<100000xf32, #tpu.memory_space<hbm>> -> memref<5920xf32, #tpu.memory_space<hbm>>
      %dma_wait3A_82 = arith.constant 0 : i32
      %dma_wait3A_83 = tpu.memref_slice %arg6[%dma_wait3A_82] : memref<6272xf32, #tpu.memory_space<vmem>> -> memref<5920xf32, #tpu.memory_space<vmem>>
      %dma_wait3A_84 = tpu.memref_slice %arg2[%mul3A_0] : memref<100000xf32, #tpu.memory_space<hbm>> -> memref<5920xf32, #tpu.memory_space<hbm>>
      tpu.wait_dma2 semaphore(%arg14 : memref<!tpu.dma_semaphore, #tpu.memory_space<semaphore_mem>>) src(%dma_wait3A_84 : memref<5920xf32, #tpu.memory_space<hbm>>) dst(%dma_wait3A_83 : memref<5920xf32, #tpu.memory_space<vmem>>)
      %dma_wait3A_85 = arith.constant 0 : i32
      %dma_wait3A_86 = tpu.memref_slice %arg7[%dma_wait3A_85] : memref<6272xf32, #tpu.memory_space<vmem>> -> memref<5920xf32, #tpu.memory_space<vmem>>
      %dma_wait3A_87 = tpu.memref_slice %arg3[%mul3A_0] : memref<100000xf32, #tpu.memory_space<hbm>> -> memref<5920xf32, #tpu.memory_space<hbm>>
      %dma_wait3A_88 = arith.constant 0 : i32
      %dma_wait3A_89 = tpu.memref_slice %arg7[%dma_wait3A_88] : memref<6272xf32, #tpu.memory_space<vmem>> -> memref<5920xf32, #tpu.memory_space<vmem>>
      %dma_wait3A_90 = tpu.memref_slice %arg3[%mul3A_0] : memref<100000xf32, #tpu.memory_space<hbm>> -> memref<5920xf32, #tpu.memory_space<hbm>>
      tpu.wait_dma2 semaphore(%arg15 : memref<!tpu.dma_semaphore, #tpu.memory_space<semaphore_mem>>) src(%dma_wait3A_90 : memref<5920xf32, #tpu.memory_space<hbm>>) dst(%dma_wait3A_89 : memref<5920xf32, #tpu.memory_space<vmem>>)
      %dma_wait3A_91 = arith.constant 0 : i32
      %dma_wait3A_92 = tpu.memref_slice %arg8[%dma_wait3A_91] : memref<6272xi32, #tpu.memory_space<vmem>> -> memref<5920xi32, #tpu.memory_space<vmem>>
      %dma_wait3A_93 = tpu.memref_slice %arg4[%mul3A_0] : memref<100000xi32, #tpu.memory_space<hbm>> -> memref<5920xi32, #tpu.memory_space<hbm>>
      %dma_wait3A_94 = arith.constant 0 : i32
      %dma_wait3A_95 = tpu.memref_slice %arg8[%dma_wait3A_94] : memref<6272xi32, #tpu.memory_space<vmem>> -> memref<5920xi32, #tpu.memory_space<vmem>>
      %dma_wait3A_96 = tpu.memref_slice %arg4[%mul3A_0] : memref<100000xi32, #tpu.memory_space<hbm>> -> memref<5920xi32, #tpu.memory_space<hbm>>
      tpu.wait_dma2 semaphore(%arg16 : memref<!tpu.dma_semaphore, #tpu.memory_space<semaphore_mem>>) src(%dma_wait3A_96 : memref<5920xi32, #tpu.memory_space<hbm>>) dst(%dma_wait3A_95 : memref<5920xi32, #tpu.memory_space<vmem>>)
    } else {
    }
    %ne3A_45 = arith.constant 15 : i32
    %ne3A_46 = arith.cmpi ne, %arg1, %ne3A_45 : i32
    %convert_element_type3A_47 = arith.extui %ne3A_46 : i1 to i32
    %cond3A_48 = arith.constant 0 : i32
    %cond3A_49 = arith.cmpi ne, %convert_element_type3A_47, %cond3A_48 : i32
    scf.if %cond3A_49 {
      %mul3A_63 = arith.constant 392 : i32
      %mul3A_64 = vector.broadcast %mul3A_63 : i32 to vector<16xi32>
      %mul3A_65 = arith.muli %iota3A, %mul3A_64 : vector<16xi32>
      %scan3A = arith.constant 0 : i32
      %scan3A_66 = arith.constant 0 : i32
      %scan3A_67 = arith.constant 392 : i32
      %scan3A_68 = arith.addi %scan3A_66, %scan3A_67 : i32
      %scan3A_69 = arith.constant 4 : i32
      scf.for %scan3A_71 = %scan3A_66 to %scan3A_68 step %scan3A_69  : i32 {
        %add3A_72 = vector.broadcast %scan3A_71 : i32 to vector<16xi32>
        %add3A_73 = arith.addi %mul3A_65, %add3A_72 : vector<16xi32>
        %gather3A = tpu.vector_load_idx %arg6[%add3A_73] : memref<6272xf32, #tpu.memory_space<vmem>>[vector<16xi32>], vector<16xf32>,
        %gather3A_74 = tpu.vector_load_idx %arg7[%add3A_73] : memref<6272xf32, #tpu.memory_space<vmem>>[vector<16xi32>], vector<16xf32>,
        %gather3A_75 = tpu.vector_load_idx %arg8[%add3A_73] : memref<6272xi32, #tpu.memory_space<vmem>>[vector<16xi32>], vector<16xi32>,
        %mul3A_76 = arith.mulf %gather3A, %gather3A : vector<16xf32>
        %mul3A_77 = arith.mulf %gather3A_74, %gather3A_74 : vector<16xf32>
        %sub3A = arith.subf %mul3A_76, %mul3A_77 : vector<16xf32>
        %abs3A = math.absf %sub3A : vector<16xf32>
        tpu.vector_store_idx %arg9[%gather3A_75], %abs3A {add = true} : memref<144xf32, #tpu.memory_space<vmem>>[vector<16xi32>], vector<16xf32>,
        tpu.vector_store_idx %arg10[%gather3A_75], %broadcast_in_dim3A_3 {add = true} : memref<144xf32, #tpu.memory_space<vmem>>[vector<16xi32>], vector<16xf32>,
        %scan3A_78 = arith.constant 1 : i32
        %scan3A_79 = arith.addi %scan3A_71, %scan3A_78 : i32
        %add3A_80 = vector.broadcast %scan3A_79 : i32 to vector<16xi32>
        %add3A_81 = arith.addi %mul3A_65, %add3A_80 : vector<16xi32>
        %gather3A_82 = tpu.vector_load_idx %arg6[%add3A_81] : memref<6272xf32, #tpu.memory_space<vmem>>[vector<16xi32>], vector<16xf32>,
        %gather3A_83 = tpu.vector_load_idx %arg7[%add3A_81] : memref<6272xf32, #tpu.memory_space<vmem>>[vector<16xi32>], vector<16xf32>,
        %gather3A_84 = tpu.vector_load_idx %arg8[%add3A_81] : memref<6272xi32, #tpu.memory_space<vmem>>[vector<16xi32>], vector<16xi32>,
        %mul3A_85 = arith.mulf %gather3A_82, %gather3A_82 : vector<16xf32>
        %mul3A_86 = arith.mulf %gather3A_83, %gather3A_83 : vector<16xf32>
        %sub3A_87 = arith.subf %mul3A_85, %mul3A_86 : vector<16xf32>
        %abs3A_88 = math.absf %sub3A_87 : vector<16xf32>
        tpu.vector_store_idx %arg9[%gather3A_84], %abs3A_88 {add = true} : memref<144xf32, #tpu.memory_space<vmem>>[vector<16xi32>], vector<16xf32>,
        tpu.vector_store_idx %arg10[%gather3A_84], %broadcast_in_dim3A_3 {add = true} : memref<144xf32, #tpu.memory_space<vmem>>[vector<16xi32>], vector<16xf32>,
        %scan3A_89 = arith.constant 2 : i32
        %scan3A_90 = arith.addi %scan3A_71, %scan3A_89 : i32
        %add3A_91 = vector.broadcast %scan3A_90 : i32 to vector<16xi32>
        %add3A_92 = arith.addi %mul3A_65, %add3A_91 : vector<16xi32>
        %gather3A_93 = tpu.vector_load_idx %arg6[%add3A_92] : memref<6272xf32, #tpu.memory_space<vmem>>[vector<16xi32>], vector<16xf32>,
        %gather3A_94 = tpu.vector_load_idx %arg7[%add3A_92] : memref<6272xf32, #tpu.memory_space<vmem>>[vector<16xi32>], vector<16xf32>,
        %gather3A_95 = tpu.vector_load_idx %arg8[%add3A_92] : memref<6272xi32, #tpu.memory_space<vmem>>[vector<16xi32>], vector<16xi32>,
        %mul3A_96 = arith.mulf %gather3A_93, %gather3A_93 : vector<16xf32>
        %mul3A_97 = arith.mulf %gather3A_94, %gather3A_94 : vector<16xf32>
        %sub3A_98 = arith.subf %mul3A_96, %mul3A_97 : vector<16xf32>
        %abs3A_99 = math.absf %sub3A_98 : vector<16xf32>
        tpu.vector_store_idx %arg9[%gather3A_95], %abs3A_99 {add = true} : memref<144xf32, #tpu.memory_space<vmem>>[vector<16xi32>], vector<16xf32>,
        tpu.vector_store_idx %arg10[%gather3A_95], %broadcast_in_dim3A_3 {add = true} : memref<144xf32, #tpu.memory_space<vmem>>[vector<16xi32>], vector<16xf32>,
        %scan3A_100 = arith.constant 3 : i32
        %scan3A_101 = arith.addi %scan3A_71, %scan3A_100 : i32
        %add3A_102 = vector.broadcast %scan3A_101 : i32 to vector<16xi32>
        %add3A_103 = arith.addi %mul3A_65, %add3A_102 : vector<16xi32>
        %gather3A_104 = tpu.vector_load_idx %arg6[%add3A_103] : memref<6272xf32, #tpu.memory_space<vmem>>[vector<16xi32>], vector<16xf32>,
        %gather3A_105 = tpu.vector_load_idx %arg7[%add3A_103] : memref<6272xf32, #tpu.memory_space<vmem>>[vector<16xi32>], vector<16xf32>,
        %gather3A_106 = tpu.vector_load_idx %arg8[%add3A_103] : memref<6272xi32, #tpu.memory_space<vmem>>[vector<16xi32>], vector<16xi32>,
        %mul3A_107 = arith.mulf %gather3A_104, %gather3A_104 : vector<16xf32>
        %mul3A_108 = arith.mulf %gather3A_105, %gather3A_105 : vector<16xf32>
        %sub3A_109 = arith.subf %mul3A_107, %mul3A_108 : vector<16xf32>
        %abs3A_110 = math.absf %sub3A_109 : vector<16xf32>
        tpu.vector_store_idx %arg9[%gather3A_106], %abs3A_110 {add = true} : memref<144xf32, #tpu.memory_space<vmem>>[vector<16xi32>], vector<16xf32>,
        tpu.vector_store_idx %arg10[%gather3A_106], %broadcast_in_dim3A_3 {add = true} : memref<144xf32, #tpu.memory_space<vmem>>[vector<16xi32>], vector<16xf32>,
      }
      %scan3A_70 = arith.constant 392 : i32
    } else {
    }
    %eq3A_50 = arith.constant 15 : i32
    %eq3A_51 = arith.cmpi eq, %arg1, %eq3A_50 : i32
    %convert_element_type3A_52 = arith.extui %eq3A_51 : i1 to i32
    %cond3A_53 = arith.constant 0 : i32
    %cond3A_54 = arith.cmpi ne, %convert_element_type3A_52, %cond3A_53 : i32
    scf.if %cond3A_54 {
      %mul3A_63 = arith.constant 370 : i32
      %mul3A_64 = vector.broadcast %mul3A_63 : i32 to vector<16xi32>
      %mul3A_65 = arith.muli %iota3A, %mul3A_64 : vector<16xi32>
      %scan3A = arith.constant 0 : i32
      %scan3A_66 = arith.constant 0 : i32
      %scan3A_67 = arith.constant 368 : i32
      %scan3A_68 = arith.addi %scan3A_66, %scan3A_67 : i32
      %scan3A_69 = arith.constant 4 : i32
      scf.for %scan3A_90 = %scan3A_66 to %scan3A_68 step %scan3A_69  : i32 {
        %add3A_91 = vector.broadcast %scan3A_90 : i32 to vector<16xi32>
        %add3A_92 = arith.addi %mul3A_65, %add3A_91 : vector<16xi32>
        %gather3A_93 = tpu.vector_load_idx %arg6[%add3A_92] : memref<6272xf32, #tpu.memory_space<vmem>>[vector<16xi32>], vector<16xf32>,
        %gather3A_94 = tpu.vector_load_idx %arg7[%add3A_92] : memref<6272xf32, #tpu.memory_space<vmem>>[vector<16xi32>], vector<16xf32>,
        %gather3A_95 = tpu.vector_load_idx %arg8[%add3A_92] : memref<6272xi32, #tpu.memory_space<vmem>>[vector<16xi32>], vector<16xi32>,
        %mul3A_96 = arith.mulf %gather3A_93, %gather3A_93 : vector<16xf32>
        %mul3A_97 = arith.mulf %gather3A_94, %gather3A_94 : vector<16xf32>
        %sub3A_98 = arith.subf %mul3A_96, %mul3A_97 : vector<16xf32>
        %abs3A_99 = math.absf %sub3A_98 : vector<16xf32>
        tpu.vector_store_idx %arg9[%gather3A_95], %abs3A_99 {add = true} : memref<144xf32, #tpu.memory_space<vmem>>[vector<16xi32>], vector<16xf32>,
        tpu.vector_store_idx %arg10[%gather3A_95], %broadcast_in_dim3A_3 {add = true} : memref<144xf32, #tpu.memory_space<vmem>>[vector<16xi32>], vector<16xf32>,
        %scan3A_100 = arith.constant 1 : i32
        %scan3A_101 = arith.addi %scan3A_90, %scan3A_100 : i32
        %add3A_102 = vector.broadcast %scan3A_101 : i32 to vector<16xi32>
        %add3A_103 = arith.addi %mul3A_65, %add3A_102 : vector<16xi32>
        %gather3A_104 = tpu.vector_load_idx %arg6[%add3A_103] : memref<6272xf32, #tpu.memory_space<vmem>>[vector<16xi32>], vector<16xf32>,
        %gather3A_105 = tpu.vector_load_idx %arg7[%add3A_103] : memref<6272xf32, #tpu.memory_space<vmem>>[vector<16xi32>], vector<16xf32>,
        %gather3A_106 = tpu.vector_load_idx %arg8[%add3A_103] : memref<6272xi32, #tpu.memory_space<vmem>>[vector<16xi32>], vector<16xi32>,
        %mul3A_107 = arith.mulf %gather3A_104, %gather3A_104 : vector<16xf32>
        %mul3A_108 = arith.mulf %gather3A_105, %gather3A_105 : vector<16xf32>
        %sub3A_109 = arith.subf %mul3A_107, %mul3A_108 : vector<16xf32>
        %abs3A_110 = math.absf %sub3A_109 : vector<16xf32>
        tpu.vector_store_idx %arg9[%gather3A_106], %abs3A_110 {add = true} : memref<144xf32, #tpu.memory_space<vmem>>[vector<16xi32>], vector<16xf32>,
        tpu.vector_store_idx %arg10[%gather3A_106], %broadcast_in_dim3A_3 {add = true} : memref<144xf32, #tpu.memory_space<vmem>>[vector<16xi32>], vector<16xf32>,
        %scan3A_111 = arith.constant 2 : i32
        %scan3A_112 = arith.addi %scan3A_90, %scan3A_111 : i32
        %add3A_113 = vector.broadcast %scan3A_112 : i32 to vector<16xi32>
        %add3A_114 = arith.addi %mul3A_65, %add3A_113 : vector<16xi32>
        %gather3A_115 = tpu.vector_load_idx %arg6[%add3A_114] : memref<6272xf32, #tpu.memory_space<vmem>>[vector<16xi32>], vector<16xf32>,
        %gather3A_116 = tpu.vector_load_idx %arg7[%add3A_114] : memref<6272xf32, #tpu.memory_space<vmem>>[vector<16xi32>], vector<16xf32>,
        %gather3A_117 = tpu.vector_load_idx %arg8[%add3A_114] : memref<6272xi32, #tpu.memory_space<vmem>>[vector<16xi32>], vector<16xi32>,
        %mul3A_118 = arith.mulf %gather3A_115, %gather3A_115 : vector<16xf32>
        %mul3A_119 = arith.mulf %gather3A_116, %gather3A_116 : vector<16xf32>
        %sub3A_120 = arith.subf %mul3A_118, %mul3A_119 : vector<16xf32>
        %abs3A_121 = math.absf %sub3A_120 : vector<16xf32>
        tpu.vector_store_idx %arg9[%gather3A_117], %abs3A_121 {add = true} : memref<144xf32, #tpu.memory_space<vmem>>[vector<16xi32>], vector<16xf32>,
        tpu.vector_store_idx %arg10[%gather3A_117], %broadcast_in_dim3A_3 {add = true} : memref<144xf32, #tpu.memory_space<vmem>>[vector<16xi32>], vector<16xf32>,
        %scan3A_122 = arith.constant 3 : i32
        %scan3A_123 = arith.addi %scan3A_90, %scan3A_122 : i32
        %add3A_124 = vector.broadcast %scan3A_123 : i32 to vector<16xi32>
        %add3A_125 = arith.addi %mul3A_65, %add3A_124 : vector<16xi32>
        %gather3A_126 = tpu.vector_load_idx %arg6[%add3A_125] : memref<6272xf32, #tpu.memory_space<vmem>>[vector<16xi32>], vector<16xf32>,
        %gather3A_127 = tpu.vector_load_idx %arg7[%add3A_125] : memref<6272xf32, #tpu.memory_space<vmem>>[vector<16xi32>], vector<16xf32>,
        %gather3A_128 = tpu.vector_load_idx %arg8[%add3A_125] : memref<6272xi32, #tpu.memory_space<vmem>>[vector<16xi32>], vector<16xi32>,
        %mul3A_129 = arith.mulf %gather3A_126, %gather3A_126 : vector<16xf32>
        %mul3A_130 = arith.mulf %gather3A_127, %gather3A_127 : vector<16xf32>
        %sub3A_131 = arith.subf %mul3A_129, %mul3A_130 : vector<16xf32>
        %abs3A_132 = math.absf %sub3A_131 : vector<16xf32>
        tpu.vector_store_idx %arg9[%gather3A_128], %abs3A_132 {add = true} : memref<144xf32, #tpu.memory_space<vmem>>[vector<16xi32>], vector<16xf32>,
        tpu.vector_store_idx %arg10[%gather3A_128], %broadcast_in_dim3A_3 {add = true} : memref<144xf32, #tpu.memory_space<vmem>>[vector<16xi32>], vector<16xf32>,
      }
      %scan3A_70 = arith.constant 368 : i32
      %scan3A_71 = arith.addi %scan3A_66, %scan3A_70 : i32
      %add3A_72 = vector.broadcast %scan3A_71 : i32 to vector<16xi32>
      %add3A_73 = arith.addi %mul3A_65, %add3A_72 : vector<16xi32>
      %gather3A = tpu.vector_load_idx %arg6[%add3A_73] : memref<6272xf32, #tpu.memory_space<vmem>>[vector<16xi32>], vector<16xf32>,
      %gather3A_74 = tpu.vector_load_idx %arg7[%add3A_73] : memref<6272xf32, #tpu.memory_space<vmem>>[vector<16xi32>], vector<16xf32>,
      %gather3A_75 = tpu.vector_load_idx %arg8[%add3A_73] : memref<6272xi32, #tpu.memory_space<vmem>>[vector<16xi32>], vector<16xi32>,
      %mul3A_76 = arith.mulf %gather3A, %gather3A : vector<16xf32>
      %mul3A_77 = arith.mulf %gather3A_74, %gather3A_74 : vector<16xf32>
      %sub3A = arith.subf %mul3A_76, %mul3A_77 : vector<16xf32>
      %abs3A = math.absf %sub3A : vector<16xf32>
      tpu.vector_store_idx %arg9[%gather3A_75], %abs3A {add = true} : memref<144xf32, #tpu.memory_space<vmem>>[vector<16xi32>], vector<16xf32>,
      tpu.vector_store_idx %arg10[%gather3A_75], %broadcast_in_dim3A_3 {add = true} : memref<144xf32, #tpu.memory_space<vmem>>[vector<16xi32>], vector<16xf32>,
      %scan3A_78 = arith.constant 369 : i32
      %scan3A_79 = arith.addi %scan3A_66, %scan3A_78 : i32
      %add3A_80 = vector.broadcast %scan3A_79 : i32 to vector<16xi32>
      %add3A_81 = arith.addi %mul3A_65, %add3A_80 : vector<16xi32>
      %gather3A_82 = tpu.vector_load_idx %arg6[%add3A_81] : memref<6272xf32, #tpu.memory_space<vmem>>[vector<16xi32>], vector<16xf32>,
      %gather3A_83 = tpu.vector_load_idx %arg7[%add3A_81] : memref<6272xf32, #tpu.memory_space<vmem>>[vector<16xi32>], vector<16xf32>,
      %gather3A_84 = tpu.vector_load_idx %arg8[%add3A_81] : memref<6272xi32, #tpu.memory_space<vmem>>[vector<16xi32>], vector<16xi32>,
      %mul3A_85 = arith.mulf %gather3A_82, %gather3A_82 : vector<16xf32>
      %mul3A_86 = arith.mulf %gather3A_83, %gather3A_83 : vector<16xf32>
      %sub3A_87 = arith.subf %mul3A_85, %mul3A_86 : vector<16xf32>
      %abs3A_88 = math.absf %sub3A_87 : vector<16xf32>
      tpu.vector_store_idx %arg9[%gather3A_84], %abs3A_88 {add = true} : memref<144xf32, #tpu.memory_space<vmem>>[vector<16xi32>], vector<16xf32>,
      tpu.vector_store_idx %arg10[%gather3A_84], %broadcast_in_dim3A_3 {add = true} : memref<144xf32, #tpu.memory_space<vmem>>[vector<16xi32>], vector<16xf32>,
      %scan3A_89 = arith.constant 370 : i32
    } else {
    }
    %mul3A_55 = arith.constant 288 : i32
    %mul3A_56 = arith.muli %arg1, %mul3A_55 : i32
    "tpu.region"() ({
      %run_scoped3A = tpu.sem_alloc : memref<!tpu.dma_semaphore, #tpu.memory_space<semaphore_mem>>
      %dma_start3A = tpu.memref_slice %arg13[%mul3A_56] : memref<4608xf32, #tpu.memory_space<vmem_shared>> -> memref<144xf32, #tpu.memory_space<vmem_shared>>
      %dma_start3A_63 = tpu.memref_slice %arg13[%mul3A_56] : memref<4608xf32, #tpu.memory_space<vmem_shared>> -> memref<144xf32, #tpu.memory_space<vmem_shared>>
      tpu.enqueue_dma source(%arg9 : memref<144xf32, #tpu.memory_space<vmem>>) target(%dma_start3A_63 : memref<144xf32, #tpu.memory_space<vmem_shared>>) target_semaphore(%run_scoped3A : memref<!tpu.dma_semaphore, #tpu.memory_space<semaphore_mem>>)
      %dma_wait3A = tpu.memref_slice %arg13[%mul3A_56] : memref<4608xf32, #tpu.memory_space<vmem_shared>> -> memref<144xf32, #tpu.memory_space<vmem_shared>>
      %dma_wait3A_64 = tpu.memref_slice %arg13[%mul3A_56] : memref<4608xf32, #tpu.memory_space<vmem_shared>> -> memref<144xf32, #tpu.memory_space<vmem_shared>>
      tpu.wait_dma2 semaphore(%run_scoped3A : memref<!tpu.dma_semaphore, #tpu.memory_space<semaphore_mem>>) src(%arg9 : memref<144xf32, #tpu.memory_space<vmem>>) dst(%dma_wait3A_64 : memref<144xf32, #tpu.memory_space<vmem_shared>>)
      tpu.yield
    }) : () -> ()
    %add3A = arith.constant 144 : i32
    %add3A_57 = arith.addi %mul3A_56, %add3A : i32
    "tpu.region"() ({
      %run_scoped3A = tpu.sem_alloc : memref<!tpu.dma_semaphore, #tpu.memory_space<semaphore_mem>>
      %dma_start3A = tpu.memref_slice %arg13[%add3A_57] : memref<4608xf32, #tpu.memory_space<vmem_shared>> -> memref<144xf32, #tpu.memory_space<vmem_shared>>
      %dma_start3A_63 = tpu.memref_slice %arg13[%add3A_57] : memref<4608xf32, #tpu.memory_space<vmem_shared>> -> memref<144xf32, #tpu.memory_space<vmem_shared>>
      tpu.enqueue_dma source(%arg10 : memref<144xf32, #tpu.memory_space<vmem>>) target(%dma_start3A_63 : memref<144xf32, #tpu.memory_space<vmem_shared>>) target_semaphore(%run_scoped3A : memref<!tpu.dma_semaphore, #tpu.memory_space<semaphore_mem>>)
      %dma_wait3A = tpu.memref_slice %arg13[%add3A_57] : memref<4608xf32, #tpu.memory_space<vmem_shared>> -> memref<144xf32, #tpu.memory_space<vmem_shared>>
      %dma_wait3A_64 = tpu.memref_slice %arg13[%add3A_57] : memref<4608xf32, #tpu.memory_space<vmem_shared>> -> memref<144xf32, #tpu.memory_space<vmem_shared>>
      tpu.wait_dma2 semaphore(%run_scoped3A : memref<!tpu.dma_semaphore, #tpu.memory_space<semaphore_mem>>) src(%arg10 : memref<144xf32, #tpu.memory_space<vmem>>) dst(%dma_wait3A_64 : memref<144xf32, #tpu.memory_space<vmem_shared>>)
      tpu.yield
    }) : () -> ()
    %barrier3A = arith.constant 0 : index
    tpu.barrier barrier_id(%barrier3A)
    %eq3A_58 = arith.constant 15 : i32
    %eq3A_59 = arith.cmpi eq, %arg1, %eq3A_58 : i32
    %convert_element_type3A_60 = arith.extui %eq3A_59 : i1 to i32
    %cond3A_61 = arith.constant 0 : i32
    %cond3A_62 = arith.cmpi ne, %convert_element_type3A_60, %cond3A_61 : i32
    scf.if %cond3A_62 {
      "tpu.region"() ({
        %run_scoped3A = tpu.sem_alloc : memref<!tpu.dma_semaphore, #tpu.memory_space<semaphore_mem>>
        tpu.enqueue_dma source(%arg13 : memref<4608xf32, #tpu.memory_space<vmem_shared>>) target(%arg11 : memref<4608xf32, #tpu.memory_space<vmem>>) target_semaphore(%run_scoped3A : memref<!tpu.dma_semaphore, #tpu.memory_space<semaphore_mem>>)
        tpu.wait_dma2 semaphore(%run_scoped3A : memref<!tpu.dma_semaphore, #tpu.memory_space<semaphore_mem>>) src(%arg13 : memref<4608xf32, #tpu.memory_space<vmem_shared>>) dst(%arg11 : memref<4608xf32, #tpu.memory_space<vmem>>)
        tpu.yield
      }) : () -> ()
      %get3A = arith.constant 0 : index
      %get3A_63 = tpu.vector_load %arg11[%get3A] {strides = array<i32>} : memref<4608xf32, #tpu.memory_space<vmem>>, vector<16xf32>,
      %add3A_64 = arith.addf %broadcast_in_dim3A_1, %get3A_63 : vector<16xf32>
      %get3A_65 = arith.constant 144 : index
      %get3A_66 = tpu.vector_load %arg11[%get3A_65] {strides = array<i32>} : memref<4608xf32, #tpu.memory_space<vmem>>, vector<16xf32>,
      %add3A_67 = arith.addf %broadcast_in_dim3A_1, %get3A_66 : vector<16xf32>
      %get3A_68 = arith.constant 288 : index
      %get3A_69 = tpu.vector_load %arg11[%get3A_68] {strides = array<i32>} : memref<4608xf32, #tpu.memory_space<vmem>>, vector<16xf32>,
      %add3A_70 = arith.addf %add3A_64, %get3A_69 : vector<16xf32>
      %get3A_71 = arith.constant 432 : index
      %get3A_72 = tpu.vector_load %arg11[%get3A_71] {strides = array<i32>} : memref<4608xf32, #tpu.memory_space<vmem>>, vector<16xf32>,
      %add3A_73 = arith.addf %add3A_67, %get3A_72 : vector<16xf32>
      %get3A_74 = arith.constant 576 : index
      %get3A_75 = tpu.vector_load %arg11[%get3A_74] {strides = array<i32>} : memref<4608xf32, #tpu.memory_space<vmem>>, vector<16xf32>,
      %add3A_76 = arith.addf %add3A_70, %get3A_75 : vector<16xf32>
      %get3A_77 = arith.constant 720 : index
      %get3A_78 = tpu.vector_load %arg11[%get3A_77] {strides = array<i32>} : memref<4608xf32, #tpu.memory_space<vmem>>, vector<16xf32>,
      %add3A_79 = arith.addf %add3A_73, %get3A_78 : vector<16xf32>
      %get3A_80 = arith.constant 864 : index
      %get3A_81 = tpu.vector_load %arg11[%get3A_80] {strides = array<i32>} : memref<4608xf32, #tpu.memory_space<vmem>>, vector<16xf32>,
      %add3A_82 = arith.addf %add3A_76, %get3A_81 : vector<16xf32>
      %get3A_83 = arith.constant 1008 : index
      %get3A_84 = tpu.vector_load %arg11[%get3A_83] {strides = array<i32>} : memref<4608xf32, #tpu.memory_space<vmem>>, vector<16xf32>,
      %add3A_85 = arith.addf %add3A_79, %get3A_84 : vector<16xf32>
      %get3A_86 = arith.constant 1152 : index
      %get3A_87 = tpu.vector_load %arg11[%get3A_86] {strides = array<i32>} : memref<4608xf32, #tpu.memory_space<vmem>>, vector<16xf32>,
      %add3A_88 = arith.addf %add3A_82, %get3A_87 : vector<16xf32>
      %get3A_89 = arith.constant 1296 : index
      %get3A_90 = tpu.vector_load %arg11[%get3A_89] {strides = array<i32>} : memref<4608xf32, #tpu.memory_space<vmem>>, vector<16xf32>,
      %add3A_91 = arith.addf %add3A_85, %get3A_90 : vector<16xf32>
      %get3A_92 = arith.constant 1440 : index
      %get3A_93 = tpu.vector_load %arg11[%get3A_92] {strides = array<i32>} : memref<4608xf32, #tpu.memory_space<vmem>>, vector<16xf32>,
      %add3A_94 = arith.addf %add3A_88, %get3A_93 : vector<16xf32>
      %get3A_95 = arith.constant 1584 : index
      %get3A_96 = tpu.vector_load %arg11[%get3A_95] {strides = array<i32>} : memref<4608xf32, #tpu.memory_space<vmem>>, vector<16xf32>,
      %add3A_97 = arith.addf %add3A_91, %get3A_96 : vector<16xf32>
      %get3A_98 = arith.constant 1728 : index
      %get3A_99 = tpu.vector_load %arg11[%get3A_98] {strides = array<i32>} : memref<4608xf32, #tpu.memory_space<vmem>>, vector<16xf32>,
      %add3A_100 = arith.addf %add3A_94, %get3A_99 : vector<16xf32>
      %get3A_101 = arith.constant 1872 : index
      %get3A_102 = tpu.vector_load %arg11[%get3A_101] {strides = array<i32>} : memref<4608xf32, #tpu.memory_space<vmem>>, vector<16xf32>,
      %add3A_103 = arith.addf %add3A_97, %get3A_102 : vector<16xf32>
      %get3A_104 = arith.constant 2016 : index
      %get3A_105 = tpu.vector_load %arg11[%get3A_104] {strides = array<i32>} : memref<4608xf32, #tpu.memory_space<vmem>>, vector<16xf32>,
      %add3A_106 = arith.addf %add3A_100, %get3A_105 : vector<16xf32>
      %get3A_107 = arith.constant 2160 : index
      %get3A_108 = tpu.vector_load %arg11[%get3A_107] {strides = array<i32>} : memref<4608xf32, #tpu.memory_space<vmem>>, vector<16xf32>,
      %add3A_109 = arith.addf %add3A_103, %get3A_108 : vector<16xf32>
      %get3A_110 = arith.constant 2304 : index
      %get3A_111 = tpu.vector_load %arg11[%get3A_110] {strides = array<i32>} : memref<4608xf32, #tpu.memory_space<vmem>>, vector<16xf32>,
      %add3A_112 = arith.addf %add3A_106, %get3A_111 : vector<16xf32>
      %get3A_113 = arith.constant 2448 : index
      %get3A_114 = tpu.vector_load %arg11[%get3A_113] {strides = array<i32>} : memref<4608xf32, #tpu.memory_space<vmem>>, vector<16xf32>,
      %add3A_115 = arith.addf %add3A_109, %get3A_114 : vector<16xf32>
      %get3A_116 = arith.constant 2592 : index
      %get3A_117 = tpu.vector_load %arg11[%get3A_116] {strides = array<i32>} : memref<4608xf32, #tpu.memory_space<vmem>>, vector<16xf32>,
      %add3A_118 = arith.addf %add3A_112, %get3A_117 : vector<16xf32>
      %get3A_119 = arith.constant 2736 : index
      %get3A_120 = tpu.vector_load %arg11[%get3A_119] {strides = array<i32>} : memref<4608xf32, #tpu.memory_space<vmem>>, vector<16xf32>,
      %add3A_121 = arith.addf %add3A_115, %get3A_120 : vector<16xf32>
      %get3A_122 = arith.constant 2880 : index
      %get3A_123 = tpu.vector_load %arg11[%get3A_122] {strides = array<i32>} : memref<4608xf32, #tpu.memory_space<vmem>>, vector<16xf32>,
      %add3A_124 = arith.addf %add3A_118, %get3A_123 : vector<16xf32>
      %get3A_125 = arith.constant 3024 : index
      %get3A_126 = tpu.vector_load %arg11[%get3A_125] {strides = array<i32>} : memref<4608xf32, #tpu.memory_space<vmem>>, vector<16xf32>,
      %add3A_127 = arith.addf %add3A_121, %get3A_126 : vector<16xf32>
      %get3A_128 = arith.constant 3168 : index
      %get3A_129 = tpu.vector_load %arg11[%get3A_128] {strides = array<i32>} : memref<4608xf32, #tpu.memory_space<vmem>>, vector<16xf32>,
      %add3A_130 = arith.addf %add3A_124, %get3A_129 : vector<16xf32>
      %get3A_131 = arith.constant 3312 : index
      %get3A_132 = tpu.vector_load %arg11[%get3A_131] {strides = array<i32>} : memref<4608xf32, #tpu.memory_space<vmem>>, vector<16xf32>,
      %add3A_133 = arith.addf %add3A_127, %get3A_132 : vector<16xf32>
      %get3A_134 = arith.constant 3456 : index
      %get3A_135 = tpu.vector_load %arg11[%get3A_134] {strides = array<i32>} : memref<4608xf32, #tpu.memory_space<vmem>>, vector<16xf32>,
      %add3A_136 = arith.addf %add3A_130, %get3A_135 : vector<16xf32>
      %get3A_137 = arith.constant 3600 : index
      %get3A_138 = tpu.vector_load %arg11[%get3A_137] {strides = array<i32>} : memref<4608xf32, #tpu.memory_space<vmem>>, vector<16xf32>,
      %add3A_139 = arith.addf %add3A_133, %get3A_138 : vector<16xf32>
      %get3A_140 = arith.constant 3744 : index
      %get3A_141 = tpu.vector_load %arg11[%get3A_140] {strides = array<i32>} : memref<4608xf32, #tpu.memory_space<vmem>>, vector<16xf32>,
      %add3A_142 = arith.addf %add3A_136, %get3A_141 : vector<16xf32>
      %get3A_143 = arith.constant 3888 : index
      %get3A_144 = tpu.vector_load %arg11[%get3A_143] {strides = array<i32>} : memref<4608xf32, #tpu.memory_space<vmem>>, vector<16xf32>,
      %add3A_145 = arith.addf %add3A_139, %get3A_144 : vector<16xf32>
      %get3A_146 = arith.constant 4032 : index
      %get3A_147 = tpu.vector_load %arg11[%get3A_146] {strides = array<i32>} : memref<4608xf32, #tpu.memory_space<vmem>>, vector<16xf32>,
      %add3A_148 = arith.addf %add3A_142, %get3A_147 : vector<16xf32>
      %get3A_149 = arith.constant 4176 : index
      %get3A_150 = tpu.vector_load %arg11[%get3A_149] {strides = array<i32>} : memref<4608xf32, #tpu.memory_space<vmem>>, vector<16xf32>,
      %add3A_151 = arith.addf %add3A_145, %get3A_150 : vector<16xf32>
      %get3A_152 = arith.constant 4320 : index
      %get3A_153 = tpu.vector_load %arg11[%get3A_152] {strides = array<i32>} : memref<4608xf32, #tpu.memory_space<vmem>>, vector<16xf32>,
      %add3A_154 = arith.addf %add3A_148, %get3A_153 : vector<16xf32>
      %get3A_155 = arith.constant 4464 : index
      %get3A_156 = tpu.vector_load %arg11[%get3A_155] {strides = array<i32>} : memref<4608xf32, #tpu.memory_space<vmem>>, vector<16xf32>,
      %add3A_157 = arith.addf %add3A_151, %get3A_156 : vector<16xf32>
      %swap3A_158 = arith.constant 0 : index
      %swap3A_159 = tpu.vector_load %arg9[%swap3A_158] {strides = array<i32>} : memref<144xf32, #tpu.memory_space<vmem>>, vector<16xf32>,
      tpu.vector_store %arg9[%swap3A_158], %add3A_154 {strides = array<i32>} : memref<144xf32, #tpu.memory_space<vmem>>, vector<16xf32>,
      %swap3A_160 = arith.constant 0 : index
      %swap3A_161 = tpu.vector_load %arg10[%swap3A_160] {strides = array<i32>} : memref<144xf32, #tpu.memory_space<vmem>>, vector<16xf32>,
      tpu.vector_store %arg10[%swap3A_160], %add3A_157 {strides = array<i32>} : memref<144xf32, #tpu.memory_space<vmem>>, vector<16xf32>,
      %get3A_162 = arith.constant 16 : index
      %get3A_163 = tpu.vector_load %arg11[%get3A_162] {strides = array<i32>} : memref<4608xf32, #tpu.memory_space<vmem>>, vector<16xf32>,
      %add3A_164 = arith.addf %broadcast_in_dim3A_1, %get3A_163 : vector<16xf32>
      %get3A_165 = arith.constant 160 : index
      %get3A_166 = tpu.vector_load %arg11[%get3A_165] {strides = array<i32>} : memref<4608xf32, #tpu.memory_space<vmem>>, vector<16xf32>,
      %add3A_167 = arith.addf %broadcast_in_dim3A_1, %get3A_166 : vector<16xf32>
      %get3A_168 = arith.constant 304 : index
      %get3A_169 = tpu.vector_load %arg11[%get3A_168] {strides = array<i32>} : memref<4608xf32, #tpu.memory_space<vmem>>, vector<16xf32>,
      %add3A_170 = arith.addf %add3A_164, %get3A_169 : vector<16xf32>
      %get3A_171 = arith.constant 448 : index
      %get3A_172 = tpu.vector_load %arg11[%get3A_171] {strides = array<i32>} : memref<4608xf32, #tpu.memory_space<vmem>>, vector<16xf32>,
      %add3A_173 = arith.addf %add3A_167, %get3A_172 : vector<16xf32>
      %get3A_174 = arith.constant 592 : index
      %get3A_175 = tpu.vector_load %arg11[%get3A_174] {strides = array<i32>} : memref<4608xf32, #tpu.memory_space<vmem>>, vector<16xf32>,
      %add3A_176 = arith.addf %add3A_170, %get3A_175 : vector<16xf32>
      %get3A_177 = arith.constant 736 : index
      %get3A_178 = tpu.vector_load %arg11[%get3A_177] {strides = array<i32>} : memref<4608xf32, #tpu.memory_space<vmem>>, vector<16xf32>,
      %add3A_179 = arith.addf %add3A_173, %get3A_178 : vector<16xf32>
      %get3A_180 = arith.constant 880 : index
      %get3A_181 = tpu.vector_load %arg11[%get3A_180] {strides = array<i32>} : memref<4608xf32, #tpu.memory_space<vmem>>, vector<16xf32>,
      %add3A_182 = arith.addf %add3A_176, %get3A_181 : vector<16xf32>
      %get3A_183 = arith.constant 1024 : index
      %get3A_184 = tpu.vector_load %arg11[%get3A_183] {strides = array<i32>} : memref<4608xf32, #tpu.memory_space<vmem>>, vector<16xf32>,
      %add3A_185 = arith.addf %add3A_179, %get3A_184 : vector<16xf32>
      %get3A_186 = arith.constant 1168 : index
      %get3A_187 = tpu.vector_load %arg11[%get3A_186] {strides = array<i32>} : memref<4608xf32, #tpu.memory_space<vmem>>, vector<16xf32>,
      %add3A_188 = arith.addf %add3A_182, %get3A_187 : vector<16xf32>
      %get3A_189 = arith.constant 1312 : index
      %get3A_190 = tpu.vector_load %arg11[%get3A_189] {strides = array<i32>} : memref<4608xf32, #tpu.memory_space<vmem>>, vector<16xf32>,
      %add3A_191 = arith.addf %add3A_185, %get3A_190 : vector<16xf32>
      %get3A_192 = arith.constant 1456 : index
      %get3A_193 = tpu.vector_load %arg11[%get3A_192] {strides = array<i32>} : memref<4608xf32, #tpu.memory_space<vmem>>, vector<16xf32>,
      %add3A_194 = arith.addf %add3A_188, %get3A_193 : vector<16xf32>
      %get3A_195 = arith.constant 1600 : index
      %get3A_196 = tpu.vector_load %arg11[%get3A_195] {strides = array<i32>} : memref<4608xf32, #tpu.memory_space<vmem>>, vector<16xf32>,
      %add3A_197 = arith.addf %add3A_191, %get3A_196 : vector<16xf32>
      %get3A_198 = arith.constant 1744 : index
      %get3A_199 = tpu.vector_load %arg11[%get3A_198] {strides = array<i32>} : memref<4608xf32, #tpu.memory_space<vmem>>, vector<16xf32>,
      %add3A_200 = arith.addf %add3A_194, %get3A_199 : vector<16xf32>
      %get3A_201 = arith.constant 1888 : index
      %get3A_202 = tpu.vector_load %arg11[%get3A_201] {strides = array<i32>} : memref<4608xf32, #tpu.memory_space<vmem>>, vector<16xf32>,
      %add3A_203 = arith.addf %add3A_197, %get3A_202 : vector<16xf32>
      %get3A_204 = arith.constant 2032 : index
      %get3A_205 = tpu.vector_load %arg11[%get3A_204] {strides = array<i32>} : memref<4608xf32, #tpu.memory_space<vmem>>, vector<16xf32>,
      %add3A_206 = arith.addf %add3A_200, %get3A_205 : vector<16xf32>
      %get3A_207 = arith.constant 2176 : index
      %get3A_208 = tpu.vector_load %arg11[%get3A_207] {strides = array<i32>} : memref<4608xf32, #tpu.memory_space<vmem>>, vector<16xf32>,
      %add3A_209 = arith.addf %add3A_203, %get3A_208 : vector<16xf32>
      %get3A_210 = arith.constant 2320 : index
      %get3A_211 = tpu.vector_load %arg11[%get3A_210] {strides = array<i32>} : memref<4608xf32, #tpu.memory_space<vmem>>, vector<16xf32>,
      %add3A_212 = arith.addf %add3A_206, %get3A_211 : vector<16xf32>
      %get3A_213 = arith.constant 2464 : index
      %get3A_214 = tpu.vector_load %arg11[%get3A_213] {strides = array<i32>} : memref<4608xf32, #tpu.memory_space<vmem>>, vector<16xf32>,
      %add3A_215 = arith.addf %add3A_209, %get3A_214 : vector<16xf32>
      %get3A_216 = arith.constant 2608 : index
      %get3A_217 = tpu.vector_load %arg11[%get3A_216] {strides = array<i32>} : memref<4608xf32, #tpu.memory_space<vmem>>, vector<16xf32>,
      %add3A_218 = arith.addf %add3A_212, %get3A_217 : vector<16xf32>
      %get3A_219 = arith.constant 2752 : index
      %get3A_220 = tpu.vector_load %arg11[%get3A_219] {strides = array<i32>} : memref<4608xf32, #tpu.memory_space<vmem>>, vector<16xf32>,
      %add3A_221 = arith.addf %add3A_215, %get3A_220 : vector<16xf32>
      %get3A_222 = arith.constant 2896 : index
      %get3A_223 = tpu.vector_load %arg11[%get3A_222] {strides = array<i32>} : memref<4608xf32, #tpu.memory_space<vmem>>, vector<16xf32>,
      %add3A_224 = arith.addf %add3A_218, %get3A_223 : vector<16xf32>
      %get3A_225 = arith.constant 3040 : index
      %get3A_226 = tpu.vector_load %arg11[%get3A_225] {strides = array<i32>} : memref<4608xf32, #tpu.memory_space<vmem>>, vector<16xf32>,
      %add3A_227 = arith.addf %add3A_221, %get3A_226 : vector<16xf32>
      %get3A_228 = arith.constant 3184 : index
      %get3A_229 = tpu.vector_load %arg11[%get3A_228] {strides = array<i32>} : memref<4608xf32, #tpu.memory_space<vmem>>, vector<16xf32>,
      %add3A_230 = arith.addf %add3A_224, %get3A_229 : vector<16xf32>
      %get3A_231 = arith.constant 3328 : index
      %get3A_232 = tpu.vector_load %arg11[%get3A_231] {strides = array<i32>} : memref<4608xf32, #tpu.memory_space<vmem>>, vector<16xf32>,
      %add3A_233 = arith.addf %add3A_227, %get3A_232 : vector<16xf32>
      %get3A_234 = arith.constant 3472 : index
      %get3A_235 = tpu.vector_load %arg11[%get3A_234] {strides = array<i32>} : memref<4608xf32, #tpu.memory_space<vmem>>, vector<16xf32>,
      %add3A_236 = arith.addf %add3A_230, %get3A_235 : vector<16xf32>
      %get3A_237 = arith.constant 3616 : index
      %get3A_238 = tpu.vector_load %arg11[%get3A_237] {strides = array<i32>} : memref<4608xf32, #tpu.memory_space<vmem>>, vector<16xf32>,
      %add3A_239 = arith.addf %add3A_233, %get3A_238 : vector<16xf32>
      %get3A_240 = arith.constant 3760 : index
      %get3A_241 = tpu.vector_load %arg11[%get3A_240] {strides = array<i32>} : memref<4608xf32, #tpu.memory_space<vmem>>, vector<16xf32>,
      %add3A_242 = arith.addf %add3A_236, %get3A_241 : vector<16xf32>
      %get3A_243 = arith.constant 3904 : index
      %get3A_244 = tpu.vector_load %arg11[%get3A_243] {strides = array<i32>} : memref<4608xf32, #tpu.memory_space<vmem>>, vector<16xf32>,
      %add3A_245 = arith.addf %add3A_239, %get3A_244 : vector<16xf32>
      %get3A_246 = arith.constant 4048 : index
      %get3A_247 = tpu.vector_load %arg11[%get3A_246] {strides = array<i32>} : memref<4608xf32, #tpu.memory_space<vmem>>, vector<16xf32>,
      %add3A_248 = arith.addf %add3A_242, %get3A_247 : vector<16xf32>
      %get3A_249 = arith.constant 4192 : index
      %get3A_250 = tpu.vector_load %arg11[%get3A_249] {strides = array<i32>} : memref<4608xf32, #tpu.memory_space<vmem>>, vector<16xf32>,
      %add3A_251 = arith.addf %add3A_245, %get3A_250 : vector<16xf32>
      %get3A_252 = arith.constant 4336 : index
      %get3A_253 = tpu.vector_load %arg11[%get3A_252] {strides = array<i32>} : memref<4608xf32, #tpu.memory_space<vmem>>, vector<16xf32>,
      %add3A_254 = arith.addf %add3A_248, %get3A_253 : vector<16xf32>
      %get3A_255 = arith.constant 4480 : index
      %get3A_256 = tpu.vector_load %arg11[%get3A_255] {strides = array<i32>} : memref<4608xf32, #tpu.memory_space<vmem>>, vector<16xf32>,
      %add3A_257 = arith.addf %add3A_251, %get3A_256 : vector<16xf32>
      %swap3A_258 = arith.constant 16 : index
      %swap3A_259 = tpu.vector_load %arg9[%swap3A_258] {strides = array<i32>} : memref<144xf32, #tpu.memory_space<vmem>>, vector<16xf32>,
      tpu.vector_store %arg9[%swap3A_258], %add3A_254 {strides = array<i32>} : memref<144xf32, #tpu.memory_space<vmem>>, vector<16xf32>,
      %swap3A_260 = arith.constant 16 : index
      %swap3A_261 = tpu.vector_load %arg10[%swap3A_260] {strides = array<i32>} : memref<144xf32, #tpu.memory_space<vmem>>, vector<16xf32>,
      tpu.vector_store %arg10[%swap3A_260], %add3A_257 {strides = array<i32>} : memref<144xf32, #tpu.memory_space<vmem>>, vector<16xf32>,
      %get3A_262 = arith.constant 32 : index
      %get3A_263 = tpu.vector_load %arg11[%get3A_262] {strides = array<i32>} : memref<4608xf32, #tpu.memory_space<vmem>>, vector<16xf32>,
      %add3A_264 = arith.addf %broadcast_in_dim3A_1, %get3A_263 : vector<16xf32>
      %get3A_265 = arith.constant 176 : index
      %get3A_266 = tpu.vector_load %arg11[%get3A_265] {strides = array<i32>} : memref<4608xf32, #tpu.memory_space<vmem>>, vector<16xf32>,
      %add3A_267 = arith.addf %broadcast_in_dim3A_1, %get3A_266 : vector<16xf32>
      %get3A_268 = arith.constant 320 : index
      %get3A_269 = tpu.vector_load %arg11[%get3A_268] {strides = array<i32>} : memref<4608xf32, #tpu.memory_space<vmem>>, vector<16xf32>,
      %add3A_270 = arith.addf %add3A_264, %get3A_269 : vector<16xf32>
      %get3A_271 = arith.constant 464 : index
      %get3A_272 = tpu.vector_load %arg11[%get3A_271] {strides = array<i32>} : memref<4608xf32, #tpu.memory_space<vmem>>, vector<16xf32>,
      %add3A_273 = arith.addf %add3A_267, %get3A_272 : vector<16xf32>
      %get3A_274 = arith.constant 608 : index
      %get3A_275 = tpu.vector_load %arg11[%get3A_274] {strides = array<i32>} : memref<4608xf32, #tpu.memory_space<vmem>>, vector<16xf32>,
      %add3A_276 = arith.addf %add3A_270, %get3A_275 : vector<16xf32>
      %get3A_277 = arith.constant 752 : index
      %get3A_278 = tpu.vector_load %arg11[%get3A_277] {strides = array<i32>} : memref<4608xf32, #tpu.memory_space<vmem>>, vector<16xf32>,
      %add3A_279 = arith.addf %add3A_273, %get3A_278 : vector<16xf32>
      %get3A_280 = arith.constant 896 : index
      %get3A_281 = tpu.vector_load %arg11[%get3A_280] {strides = array<i32>} : memref<4608xf32, #tpu.memory_space<vmem>>, vector<16xf32>,
      %add3A_282 = arith.addf %add3A_276, %get3A_281 : vector<16xf32>
      %get3A_283 = arith.constant 1040 : index
      %get3A_284 = tpu.vector_load %arg11[%get3A_283] {strides = array<i32>} : memref<4608xf32, #tpu.memory_space<vmem>>, vector<16xf32>,
      %add3A_285 = arith.addf %add3A_279, %get3A_284 : vector<16xf32>
      %get3A_286 = arith.constant 1184 : index
      %get3A_287 = tpu.vector_load %arg11[%get3A_286] {strides = array<i32>} : memref<4608xf32, #tpu.memory_space<vmem>>, vector<16xf32>,
      %add3A_288 = arith.addf %add3A_282, %get3A_287 : vector<16xf32>
      %get3A_289 = arith.constant 1328 : index
      %get3A_290 = tpu.vector_load %arg11[%get3A_289] {strides = array<i32>} : memref<4608xf32, #tpu.memory_space<vmem>>, vector<16xf32>,
      %add3A_291 = arith.addf %add3A_285, %get3A_290 : vector<16xf32>
      %get3A_292 = arith.constant 1472 : index
      %get3A_293 = tpu.vector_load %arg11[%get3A_292] {strides = array<i32>} : memref<4608xf32, #tpu.memory_space<vmem>>, vector<16xf32>,
      %add3A_294 = arith.addf %add3A_288, %get3A_293 : vector<16xf32>
      %get3A_295 = arith.constant 1616 : index
      %get3A_296 = tpu.vector_load %arg11[%get3A_295] {strides = array<i32>} : memref<4608xf32, #tpu.memory_space<vmem>>, vector<16xf32>,
      %add3A_297 = arith.addf %add3A_291, %get3A_296 : vector<16xf32>
      %get3A_298 = arith.constant 1760 : index
      %get3A_299 = tpu.vector_load %arg11[%get3A_298] {strides = array<i32>} : memref<4608xf32, #tpu.memory_space<vmem>>, vector<16xf32>,
      %add3A_300 = arith.addf %add3A_294, %get3A_299 : vector<16xf32>
      %get3A_301 = arith.constant 1904 : index
      %get3A_302 = tpu.vector_load %arg11[%get3A_301] {strides = array<i32>} : memref<4608xf32, #tpu.memory_space<vmem>>, vector<16xf32>,
      %add3A_303 = arith.addf %add3A_297, %get3A_302 : vector<16xf32>
      %get3A_304 = arith.constant 2048 : index
      %get3A_305 = tpu.vector_load %arg11[%get3A_304] {strides = array<i32>} : memref<4608xf32, #tpu.memory_space<vmem>>, vector<16xf32>,
      %add3A_306 = arith.addf %add3A_300, %get3A_305 : vector<16xf32>
      %get3A_307 = arith.constant 2192 : index
      %get3A_308 = tpu.vector_load %arg11[%get3A_307] {strides = array<i32>} : memref<4608xf32, #tpu.memory_space<vmem>>, vector<16xf32>,
      %add3A_309 = arith.addf %add3A_303, %get3A_308 : vector<16xf32>
      %get3A_310 = arith.constant 2336 : index
      %get3A_311 = tpu.vector_load %arg11[%get3A_310] {strides = array<i32>} : memref<4608xf32, #tpu.memory_space<vmem>>, vector<16xf32>,
      %add3A_312 = arith.addf %add3A_306, %get3A_311 : vector<16xf32>
      %get3A_313 = arith.constant 2480 : index
      %get3A_314 = tpu.vector_load %arg11[%get3A_313] {strides = array<i32>} : memref<4608xf32, #tpu.memory_space<vmem>>, vector<16xf32>,
      %add3A_315 = arith.addf %add3A_309, %get3A_314 : vector<16xf32>
      %get3A_316 = arith.constant 2624 : index
      %get3A_317 = tpu.vector_load %arg11[%get3A_316] {strides = array<i32>} : memref<4608xf32, #tpu.memory_space<vmem>>, vector<16xf32>,
      %add3A_318 = arith.addf %add3A_312, %get3A_317 : vector<16xf32>
      %get3A_319 = arith.constant 2768 : index
      %get3A_320 = tpu.vector_load %arg11[%get3A_319] {strides = array<i32>} : memref<4608xf32, #tpu.memory_space<vmem>>, vector<16xf32>,
      %add3A_321 = arith.addf %add3A_315, %get3A_320 : vector<16xf32>
      %get3A_322 = arith.constant 2912 : index
      %get3A_323 = tpu.vector_load %arg11[%get3A_322] {strides = array<i32>} : memref<4608xf32, #tpu.memory_space<vmem>>, vector<16xf32>,
      %add3A_324 = arith.addf %add3A_318, %get3A_323 : vector<16xf32>
      %get3A_325 = arith.constant 3056 : index
      %get3A_326 = tpu.vector_load %arg11[%get3A_325] {strides = array<i32>} : memref<4608xf32, #tpu.memory_space<vmem>>, vector<16xf32>,
      %add3A_327 = arith.addf %add3A_321, %get3A_326 : vector<16xf32>
      %get3A_328 = arith.constant 3200 : index
      %get3A_329 = tpu.vector_load %arg11[%get3A_328] {strides = array<i32>} : memref<4608xf32, #tpu.memory_space<vmem>>, vector<16xf32>,
      %add3A_330 = arith.addf %add3A_324, %get3A_329 : vector<16xf32>
      %get3A_331 = arith.constant 3344 : index
      %get3A_332 = tpu.vector_load %arg11[%get3A_331] {strides = array<i32>} : memref<4608xf32, #tpu.memory_space<vmem>>, vector<16xf32>,
      %add3A_333 = arith.addf %add3A_327, %get3A_332 : vector<16xf32>
      %get3A_334 = arith.constant 3488 : index
      %get3A_335 = tpu.vector_load %arg11[%get3A_334] {strides = array<i32>} : memref<4608xf32, #tpu.memory_space<vmem>>, vector<16xf32>,
      %add3A_336 = arith.addf %add3A_330, %get3A_335 : vector<16xf32>
      %get3A_337 = arith.constant 3632 : index
      %get3A_338 = tpu.vector_load %arg11[%get3A_337] {strides = array<i32>} : memref<4608xf32, #tpu.memory_space<vmem>>, vector<16xf32>,
      %add3A_339 = arith.addf %add3A_333, %get3A_338 : vector<16xf32>
      %get3A_340 = arith.constant 3776 : index
      %get3A_341 = tpu.vector_load %arg11[%get3A_340] {strides = array<i32>} : memref<4608xf32, #tpu.memory_space<vmem>>, vector<16xf32>,
      %add3A_342 = arith.addf %add3A_336, %get3A_341 : vector<16xf32>
      %get3A_343 = arith.constant 3920 : index
      %get3A_344 = tpu.vector_load %arg11[%get3A_343] {strides = array<i32>} : memref<4608xf32, #tpu.memory_space<vmem>>, vector<16xf32>,
      %add3A_345 = arith.addf %add3A_339, %get3A_344 : vector<16xf32>
      %get3A_346 = arith.constant 4064 : index
      %get3A_347 = tpu.vector_load %arg11[%get3A_346] {strides = array<i32>} : memref<4608xf32, #tpu.memory_space<vmem>>, vector<16xf32>,
      %add3A_348 = arith.addf %add3A_342, %get3A_347 : vector<16xf32>
      %get3A_349 = arith.constant 4208 : index
      %get3A_350 = tpu.vector_load %arg11[%get3A_349] {strides = array<i32>} : memref<4608xf32, #tpu.memory_space<vmem>>, vector<16xf32>,
      %add3A_351 = arith.addf %add3A_345, %get3A_350 : vector<16xf32>
      %get3A_352 = arith.constant 4352 : index
      %get3A_353 = tpu.vector_load %arg11[%get3A_352] {strides = array<i32>} : memref<4608xf32, #tpu.memory_space<vmem>>, vector<16xf32>,
      %add3A_354 = arith.addf %add3A_348, %get3A_353 : vector<16xf32>
      %get3A_355 = arith.constant 4496 : index
      %get3A_356 = tpu.vector_load %arg11[%get3A_355] {strides = array<i32>} : memref<4608xf32, #tpu.memory_space<vmem>>, vector<16xf32>,
      %add3A_357 = arith.addf %add3A_351, %get3A_356 : vector<16xf32>
      %swap3A_358 = arith.constant 32 : index
      %swap3A_359 = tpu.vector_load %arg9[%swap3A_358] {strides = array<i32>} : memref<144xf32, #tpu.memory_space<vmem>>, vector<16xf32>,
      tpu.vector_store %arg9[%swap3A_358], %add3A_354 {strides = array<i32>} : memref<144xf32, #tpu.memory_space<vmem>>, vector<16xf32>,
      %swap3A_360 = arith.constant 32 : index
      %swap3A_361 = tpu.vector_load %arg10[%swap3A_360] {strides = array<i32>} : memref<144xf32, #tpu.memory_space<vmem>>, vector<16xf32>,
      tpu.vector_store %arg10[%swap3A_360], %add3A_357 {strides = array<i32>} : memref<144xf32, #tpu.memory_space<vmem>>, vector<16xf32>,
      %get3A_362 = arith.constant 48 : index
      %get3A_363 = tpu.vector_load %arg11[%get3A_362] {strides = array<i32>} : memref<4608xf32, #tpu.memory_space<vmem>>, vector<16xf32>,
      %add3A_364 = arith.addf %broadcast_in_dim3A_1, %get3A_363 : vector<16xf32>
      %get3A_365 = arith.constant 192 : index
      %get3A_366 = tpu.vector_load %arg11[%get3A_365] {strides = array<i32>} : memref<4608xf32, #tpu.memory_space<vmem>>, vector<16xf32>,
      %add3A_367 = arith.addf %broadcast_in_dim3A_1, %get3A_366 : vector<16xf32>
      %get3A_368 = arith.constant 336 : index
      %get3A_369 = tpu.vector_load %arg11[%get3A_368] {strides = array<i32>} : memref<4608xf32, #tpu.memory_space<vmem>>, vector<16xf32>,
      %add3A_370 = arith.addf %add3A_364, %get3A_369 : vector<16xf32>
      %get3A_371 = arith.constant 480 : index
      %get3A_372 = tpu.vector_load %arg11[%get3A_371] {strides = array<i32>} : memref<4608xf32, #tpu.memory_space<vmem>>, vector<16xf32>,
      %add3A_373 = arith.addf %add3A_367, %get3A_372 : vector<16xf32>
      %get3A_374 = arith.constant 624 : index
      %get3A_375 = tpu.vector_load %arg11[%get3A_374] {strides = array<i32>} : memref<4608xf32, #tpu.memory_space<vmem>>, vector<16xf32>,
      %add3A_376 = arith.addf %add3A_370, %get3A_375 : vector<16xf32>
      %get3A_377 = arith.constant 768 : index
      %get3A_378 = tpu.vector_load %arg11[%get3A_377] {strides = array<i32>} : memref<4608xf32, #tpu.memory_space<vmem>>, vector<16xf32>,
      %add3A_379 = arith.addf %add3A_373, %get3A_378 : vector<16xf32>
      %get3A_380 = arith.constant 912 : index
      %get3A_381 = tpu.vector_load %arg11[%get3A_380] {strides = array<i32>} : memref<4608xf32, #tpu.memory_space<vmem>>, vector<16xf32>,
      %add3A_382 = arith.addf %add3A_376, %get3A_381 : vector<16xf32>
      %get3A_383 = arith.constant 1056 : index
      %get3A_384 = tpu.vector_load %arg11[%get3A_383] {strides = array<i32>} : memref<4608xf32, #tpu.memory_space<vmem>>, vector<16xf32>,
      %add3A_385 = arith.addf %add3A_379, %get3A_384 : vector<16xf32>
      %get3A_386 = arith.constant 1200 : index
      %get3A_387 = tpu.vector_load %arg11[%get3A_386] {strides = array<i32>} : memref<4608xf32, #tpu.memory_space<vmem>>, vector<16xf32>,
      %add3A_388 = arith.addf %add3A_382, %get3A_387 : vector<16xf32>
      %get3A_389 = arith.constant 1344 : index
      %get3A_390 = tpu.vector_load %arg11[%get3A_389] {strides = array<i32>} : memref<4608xf32, #tpu.memory_space<vmem>>, vector<16xf32>,
      %add3A_391 = arith.addf %add3A_385, %get3A_390 : vector<16xf32>
      %get3A_392 = arith.constant 1488 : index
      %get3A_393 = tpu.vector_load %arg11[%get3A_392] {strides = array<i32>} : memref<4608xf32, #tpu.memory_space<vmem>>, vector<16xf32>,
      %add3A_394 = arith.addf %add3A_388, %get3A_393 : vector<16xf32>
      %get3A_395 = arith.constant 1632 : index
      %get3A_396 = tpu.vector_load %arg11[%get3A_395] {strides = array<i32>} : memref<4608xf32, #tpu.memory_space<vmem>>, vector<16xf32>,
      %add3A_397 = arith.addf %add3A_391, %get3A_396 : vector<16xf32>
      %get3A_398 = arith.constant 1776 : index
      %get3A_399 = tpu.vector_load %arg11[%get3A_398] {strides = array<i32>} : memref<4608xf32, #tpu.memory_space<vmem>>, vector<16xf32>,
      %add3A_400 = arith.addf %add3A_394, %get3A_399 : vector<16xf32>
      %get3A_401 = arith.constant 1920 : index
      %get3A_402 = tpu.vector_load %arg11[%get3A_401] {strides = array<i32>} : memref<4608xf32, #tpu.memory_space<vmem>>, vector<16xf32>,
      %add3A_403 = arith.addf %add3A_397, %get3A_402 : vector<16xf32>
      %get3A_404 = arith.constant 2064 : index
      %get3A_405 = tpu.vector_load %arg11[%get3A_404] {strides = array<i32>} : memref<4608xf32, #tpu.memory_space<vmem>>, vector<16xf32>,
      %add3A_406 = arith.addf %add3A_400, %get3A_405 : vector<16xf32>
      %get3A_407 = arith.constant 2208 : index
      %get3A_408 = tpu.vector_load %arg11[%get3A_407] {strides = array<i32>} : memref<4608xf32, #tpu.memory_space<vmem>>, vector<16xf32>,
      %add3A_409 = arith.addf %add3A_403, %get3A_408 : vector<16xf32>
      %get3A_410 = arith.constant 2352 : index
      %get3A_411 = tpu.vector_load %arg11[%get3A_410] {strides = array<i32>} : memref<4608xf32, #tpu.memory_space<vmem>>, vector<16xf32>,
      %add3A_412 = arith.addf %add3A_406, %get3A_411 : vector<16xf32>
      %get3A_413 = arith.constant 2496 : index
      %get3A_414 = tpu.vector_load %arg11[%get3A_413] {strides = array<i32>} : memref<4608xf32, #tpu.memory_space<vmem>>, vector<16xf32>,
      %add3A_415 = arith.addf %add3A_409, %get3A_414 : vector<16xf32>
      %get3A_416 = arith.constant 2640 : index
      %get3A_417 = tpu.vector_load %arg11[%get3A_416] {strides = array<i32>} : memref<4608xf32, #tpu.memory_space<vmem>>, vector<16xf32>,
      %add3A_418 = arith.addf %add3A_412, %get3A_417 : vector<16xf32>
      %get3A_419 = arith.constant 2784 : index
      %get3A_420 = tpu.vector_load %arg11[%get3A_419] {strides = array<i32>} : memref<4608xf32, #tpu.memory_space<vmem>>, vector<16xf32>,
      %add3A_421 = arith.addf %add3A_415, %get3A_420 : vector<16xf32>
      %get3A_422 = arith.constant 2928 : index
      %get3A_423 = tpu.vector_load %arg11[%get3A_422] {strides = array<i32>} : memref<4608xf32, #tpu.memory_space<vmem>>, vector<16xf32>,
      %add3A_424 = arith.addf %add3A_418, %get3A_423 : vector<16xf32>
      %get3A_425 = arith.constant 3072 : index
      %get3A_426 = tpu.vector_load %arg11[%get3A_425] {strides = array<i32>} : memref<4608xf32, #tpu.memory_space<vmem>>, vector<16xf32>,
      %add3A_427 = arith.addf %add3A_421, %get3A_426 : vector<16xf32>
      %get3A_428 = arith.constant 3216 : index
      %get3A_429 = tpu.vector_load %arg11[%get3A_428] {strides = array<i32>} : memref<4608xf32, #tpu.memory_space<vmem>>, vector<16xf32>,
      %add3A_430 = arith.addf %add3A_424, %get3A_429 : vector<16xf32>
      %get3A_431 = arith.constant 3360 : index
      %get3A_432 = tpu.vector_load %arg11[%get3A_431] {strides = array<i32>} : memref<4608xf32, #tpu.memory_space<vmem>>, vector<16xf32>,
      %add3A_433 = arith.addf %add3A_427, %get3A_432 : vector<16xf32>
      %get3A_434 = arith.constant 3504 : index
      %get3A_435 = tpu.vector_load %arg11[%get3A_434] {strides = array<i32>} : memref<4608xf32, #tpu.memory_space<vmem>>, vector<16xf32>,
      %add3A_436 = arith.addf %add3A_430, %get3A_435 : vector<16xf32>
      %get3A_437 = arith.constant 3648 : index
      %get3A_438 = tpu.vector_load %arg11[%get3A_437] {strides = array<i32>} : memref<4608xf32, #tpu.memory_space<vmem>>, vector<16xf32>,
      %add3A_439 = arith.addf %add3A_433, %get3A_438 : vector<16xf32>
      %get3A_440 = arith.constant 3792 : index
      %get3A_441 = tpu.vector_load %arg11[%get3A_440] {strides = array<i32>} : memref<4608xf32, #tpu.memory_space<vmem>>, vector<16xf32>,
      %add3A_442 = arith.addf %add3A_436, %get3A_441 : vector<16xf32>
      %get3A_443 = arith.constant 3936 : index
      %get3A_444 = tpu.vector_load %arg11[%get3A_443] {strides = array<i32>} : memref<4608xf32, #tpu.memory_space<vmem>>, vector<16xf32>,
      %add3A_445 = arith.addf %add3A_439, %get3A_444 : vector<16xf32>
      %get3A_446 = arith.constant 4080 : index
      %get3A_447 = tpu.vector_load %arg11[%get3A_446] {strides = array<i32>} : memref<4608xf32, #tpu.memory_space<vmem>>, vector<16xf32>,
      %add3A_448 = arith.addf %add3A_442, %get3A_447 : vector<16xf32>
      %get3A_449 = arith.constant 4224 : index
      %get3A_450 = tpu.vector_load %arg11[%get3A_449] {strides = array<i32>} : memref<4608xf32, #tpu.memory_space<vmem>>, vector<16xf32>,
      %add3A_451 = arith.addf %add3A_445, %get3A_450 : vector<16xf32>
      %get3A_452 = arith.constant 4368 : index
      %get3A_453 = tpu.vector_load %arg11[%get3A_452] {strides = array<i32>} : memref<4608xf32, #tpu.memory_space<vmem>>, vector<16xf32>,
      %add3A_454 = arith.addf %add3A_448, %get3A_453 : vector<16xf32>
      %get3A_455 = arith.constant 4512 : index
      %get3A_456 = tpu.vector_load %arg11[%get3A_455] {strides = array<i32>} : memref<4608xf32, #tpu.memory_space<vmem>>, vector<16xf32>,
      %add3A_457 = arith.addf %add3A_451, %get3A_456 : vector<16xf32>
      %swap3A_458 = arith.constant 48 : index
      %swap3A_459 = tpu.vector_load %arg9[%swap3A_458] {strides = array<i32>} : memref<144xf32, #tpu.memory_space<vmem>>, vector<16xf32>,
      tpu.vector_store %arg9[%swap3A_458], %add3A_454 {strides = array<i32>} : memref<144xf32, #tpu.memory_space<vmem>>, vector<16xf32>,
      %swap3A_460 = arith.constant 48 : index
      %swap3A_461 = tpu.vector_load %arg10[%swap3A_460] {strides = array<i32>} : memref<144xf32, #tpu.memory_space<vmem>>, vector<16xf32>,
      tpu.vector_store %arg10[%swap3A_460], %add3A_457 {strides = array<i32>} : memref<144xf32, #tpu.memory_space<vmem>>, vector<16xf32>,
      %get3A_462 = arith.constant 64 : index
      %get3A_463 = tpu.vector_load %arg11[%get3A_462] {strides = array<i32>} : memref<4608xf32, #tpu.memory_space<vmem>>, vector<16xf32>,
      %add3A_464 = arith.addf %broadcast_in_dim3A_1, %get3A_463 : vector<16xf32>
      %get3A_465 = arith.constant 208 : index
      %get3A_466 = tpu.vector_load %arg11[%get3A_465] {strides = array<i32>} : memref<4608xf32, #tpu.memory_space<vmem>>, vector<16xf32>,
      %add3A_467 = arith.addf %broadcast_in_dim3A_1, %get3A_466 : vector<16xf32>
      %get3A_468 = arith.constant 352 : index
      %get3A_469 = tpu.vector_load %arg11[%get3A_468] {strides = array<i32>} : memref<4608xf32, #tpu.memory_space<vmem>>, vector<16xf32>,
      %add3A_470 = arith.addf %add3A_464, %get3A_469 : vector<16xf32>
      %get3A_471 = arith.constant 496 : index
      %get3A_472 = tpu.vector_load %arg11[%get3A_471] {strides = array<i32>} : memref<4608xf32, #tpu.memory_space<vmem>>, vector<16xf32>,
      %add3A_473 = arith.addf %add3A_467, %get3A_472 : vector<16xf32>
      %get3A_474 = arith.constant 640 : index
      %get3A_475 = tpu.vector_load %arg11[%get3A_474] {strides = array<i32>} : memref<4608xf32, #tpu.memory_space<vmem>>, vector<16xf32>,
      %add3A_476 = arith.addf %add3A_470, %get3A_475 : vector<16xf32>
      %get3A_477 = arith.constant 784 : index
      %get3A_478 = tpu.vector_load %arg11[%get3A_477] {strides = array<i32>} : memref<4608xf32, #tpu.memory_space<vmem>>, vector<16xf32>,
      %add3A_479 = arith.addf %add3A_473, %get3A_478 : vector<16xf32>
      %get3A_480 = arith.constant 928 : index
      %get3A_481 = tpu.vector_load %arg11[%get3A_480] {strides = array<i32>} : memref<4608xf32, #tpu.memory_space<vmem>>, vector<16xf32>,
      %add3A_482 = arith.addf %add3A_476, %get3A_481 : vector<16xf32>
      %get3A_483 = arith.constant 1072 : index
      %get3A_484 = tpu.vector_load %arg11[%get3A_483] {strides = array<i32>} : memref<4608xf32, #tpu.memory_space<vmem>>, vector<16xf32>,
      %add3A_485 = arith.addf %add3A_479, %get3A_484 : vector<16xf32>
      %get3A_486 = arith.constant 1216 : index
      %get3A_487 = tpu.vector_load %arg11[%get3A_486] {strides = array<i32>} : memref<4608xf32, #tpu.memory_space<vmem>>, vector<16xf32>,
      %add3A_488 = arith.addf %add3A_482, %get3A_487 : vector<16xf32>
      %get3A_489 = arith.constant 1360 : index
      %get3A_490 = tpu.vector_load %arg11[%get3A_489] {strides = array<i32>} : memref<4608xf32, #tpu.memory_space<vmem>>, vector<16xf32>,
      %add3A_491 = arith.addf %add3A_485, %get3A_490 : vector<16xf32>
      %get3A_492 = arith.constant 1504 : index
      %get3A_493 = tpu.vector_load %arg11[%get3A_492] {strides = array<i32>} : memref<4608xf32, #tpu.memory_space<vmem>>, vector<16xf32>,
      %add3A_494 = arith.addf %add3A_488, %get3A_493 : vector<16xf32>
      %get3A_495 = arith.constant 1648 : index
      %get3A_496 = tpu.vector_load %arg11[%get3A_495] {strides = array<i32>} : memref<4608xf32, #tpu.memory_space<vmem>>, vector<16xf32>,
      %add3A_497 = arith.addf %add3A_491, %get3A_496 : vector<16xf32>
      %get3A_498 = arith.constant 1792 : index
      %get3A_499 = tpu.vector_load %arg11[%get3A_498] {strides = array<i32>} : memref<4608xf32, #tpu.memory_space<vmem>>, vector<16xf32>,
      %add3A_500 = arith.addf %add3A_494, %get3A_499 : vector<16xf32>
      %get3A_501 = arith.constant 1936 : index
      %get3A_502 = tpu.vector_load %arg11[%get3A_501] {strides = array<i32>} : memref<4608xf32, #tpu.memory_space<vmem>>, vector<16xf32>,
      %add3A_503 = arith.addf %add3A_497, %get3A_502 : vector<16xf32>
      %get3A_504 = arith.constant 2080 : index
      %get3A_505 = tpu.vector_load %arg11[%get3A_504] {strides = array<i32>} : memref<4608xf32, #tpu.memory_space<vmem>>, vector<16xf32>,
      %add3A_506 = arith.addf %add3A_500, %get3A_505 : vector<16xf32>
      %get3A_507 = arith.constant 2224 : index
      %get3A_508 = tpu.vector_load %arg11[%get3A_507] {strides = array<i32>} : memref<4608xf32, #tpu.memory_space<vmem>>, vector<16xf32>,
      %add3A_509 = arith.addf %add3A_503, %get3A_508 : vector<16xf32>
      %get3A_510 = arith.constant 2368 : index
      %get3A_511 = tpu.vector_load %arg11[%get3A_510] {strides = array<i32>} : memref<4608xf32, #tpu.memory_space<vmem>>, vector<16xf32>,
      %add3A_512 = arith.addf %add3A_506, %get3A_511 : vector<16xf32>
      %get3A_513 = arith.constant 2512 : index
      %get3A_514 = tpu.vector_load %arg11[%get3A_513] {strides = array<i32>} : memref<4608xf32, #tpu.memory_space<vmem>>, vector<16xf32>,
      %add3A_515 = arith.addf %add3A_509, %get3A_514 : vector<16xf32>
      %get3A_516 = arith.constant 2656 : index
      %get3A_517 = tpu.vector_load %arg11[%get3A_516] {strides = array<i32>} : memref<4608xf32, #tpu.memory_space<vmem>>, vector<16xf32>,
      %add3A_518 = arith.addf %add3A_512, %get3A_517 : vector<16xf32>
      %get3A_519 = arith.constant 2800 : index
      %get3A_520 = tpu.vector_load %arg11[%get3A_519] {strides = array<i32>} : memref<4608xf32, #tpu.memory_space<vmem>>, vector<16xf32>,
      %add3A_521 = arith.addf %add3A_515, %get3A_520 : vector<16xf32>
      %get3A_522 = arith.constant 2944 : index
      %get3A_523 = tpu.vector_load %arg11[%get3A_522] {strides = array<i32>} : memref<4608xf32, #tpu.memory_space<vmem>>, vector<16xf32>,
      %add3A_524 = arith.addf %add3A_518, %get3A_523 : vector<16xf32>
      %get3A_525 = arith.constant 3088 : index
      %get3A_526 = tpu.vector_load %arg11[%get3A_525] {strides = array<i32>} : memref<4608xf32, #tpu.memory_space<vmem>>, vector<16xf32>,
      %add3A_527 = arith.addf %add3A_521, %get3A_526 : vector<16xf32>
      %get3A_528 = arith.constant 3232 : index
      %get3A_529 = tpu.vector_load %arg11[%get3A_528] {strides = array<i32>} : memref<4608xf32, #tpu.memory_space<vmem>>, vector<16xf32>,
      %add3A_530 = arith.addf %add3A_524, %get3A_529 : vector<16xf32>
      %get3A_531 = arith.constant 3376 : index
      %get3A_532 = tpu.vector_load %arg11[%get3A_531] {strides = array<i32>} : memref<4608xf32, #tpu.memory_space<vmem>>, vector<16xf32>,
      %add3A_533 = arith.addf %add3A_527, %get3A_532 : vector<16xf32>
      %get3A_534 = arith.constant 3520 : index
      %get3A_535 = tpu.vector_load %arg11[%get3A_534] {strides = array<i32>} : memref<4608xf32, #tpu.memory_space<vmem>>, vector<16xf32>,
      %add3A_536 = arith.addf %add3A_530, %get3A_535 : vector<16xf32>
      %get3A_537 = arith.constant 3664 : index
      %get3A_538 = tpu.vector_load %arg11[%get3A_537] {strides = array<i32>} : memref<4608xf32, #tpu.memory_space<vmem>>, vector<16xf32>,
      %add3A_539 = arith.addf %add3A_533, %get3A_538 : vector<16xf32>
      %get3A_540 = arith.constant 3808 : index
      %get3A_541 = tpu.vector_load %arg11[%get3A_540] {strides = array<i32>} : memref<4608xf32, #tpu.memory_space<vmem>>, vector<16xf32>,
      %add3A_542 = arith.addf %add3A_536, %get3A_541 : vector<16xf32>
      %get3A_543 = arith.constant 3952 : index
      %get3A_544 = tpu.vector_load %arg11[%get3A_543] {strides = array<i32>} : memref<4608xf32, #tpu.memory_space<vmem>>, vector<16xf32>,
      %add3A_545 = arith.addf %add3A_539, %get3A_544 : vector<16xf32>
      %get3A_546 = arith.constant 4096 : index
      %get3A_547 = tpu.vector_load %arg11[%get3A_546] {strides = array<i32>} : memref<4608xf32, #tpu.memory_space<vmem>>, vector<16xf32>,
      %add3A_548 = arith.addf %add3A_542, %get3A_547 : vector<16xf32>
      %get3A_549 = arith.constant 4240 : index
      %get3A_550 = tpu.vector_load %arg11[%get3A_549] {strides = array<i32>} : memref<4608xf32, #tpu.memory_space<vmem>>, vector<16xf32>,
      %add3A_551 = arith.addf %add3A_545, %get3A_550 : vector<16xf32>
      %get3A_552 = arith.constant 4384 : index
      %get3A_553 = tpu.vector_load %arg11[%get3A_552] {strides = array<i32>} : memref<4608xf32, #tpu.memory_space<vmem>>, vector<16xf32>,
      %add3A_554 = arith.addf %add3A_548, %get3A_553 : vector<16xf32>
      %get3A_555 = arith.constant 4528 : index
      %get3A_556 = tpu.vector_load %arg11[%get3A_555] {strides = array<i32>} : memref<4608xf32, #tpu.memory_space<vmem>>, vector<16xf32>,
      %add3A_557 = arith.addf %add3A_551, %get3A_556 : vector<16xf32>
      %swap3A_558 = arith.constant 64 : index
      %swap3A_559 = tpu.vector_load %arg9[%swap3A_558] {strides = array<i32>} : memref<144xf32, #tpu.memory_space<vmem>>, vector<16xf32>,
      tpu.vector_store %arg9[%swap3A_558], %add3A_554 {strides = array<i32>} : memref<144xf32, #tpu.memory_space<vmem>>, vector<16xf32>,
      %swap3A_560 = arith.constant 64 : index
      %swap3A_561 = tpu.vector_load %arg10[%swap3A_560] {strides = array<i32>} : memref<144xf32, #tpu.memory_space<vmem>>, vector<16xf32>,
      tpu.vector_store %arg10[%swap3A_560], %add3A_557 {strides = array<i32>} : memref<144xf32, #tpu.memory_space<vmem>>, vector<16xf32>,
      %get3A_562 = arith.constant 80 : index
      %get3A_563 = tpu.vector_load %arg11[%get3A_562] {strides = array<i32>} : memref<4608xf32, #tpu.memory_space<vmem>>, vector<16xf32>,
      %add3A_564 = arith.addf %broadcast_in_dim3A_1, %get3A_563 : vector<16xf32>
      %get3A_565 = arith.constant 224 : index
      %get3A_566 = tpu.vector_load %arg11[%get3A_565] {strides = array<i32>} : memref<4608xf32, #tpu.memory_space<vmem>>, vector<16xf32>,
      %add3A_567 = arith.addf %broadcast_in_dim3A_1, %get3A_566 : vector<16xf32>
      %get3A_568 = arith.constant 368 : index
      %get3A_569 = tpu.vector_load %arg11[%get3A_568] {strides = array<i32>} : memref<4608xf32, #tpu.memory_space<vmem>>, vector<16xf32>,
      %add3A_570 = arith.addf %add3A_564, %get3A_569 : vector<16xf32>
      %get3A_571 = arith.constant 512 : index
      %get3A_572 = tpu.vector_load %arg11[%get3A_571] {strides = array<i32>} : memref<4608xf32, #tpu.memory_space<vmem>>, vector<16xf32>,
      %add3A_573 = arith.addf %add3A_567, %get3A_572 : vector<16xf32>
      %get3A_574 = arith.constant 656 : index
      %get3A_575 = tpu.vector_load %arg11[%get3A_574] {strides = array<i32>} : memref<4608xf32, #tpu.memory_space<vmem>>, vector<16xf32>,
      %add3A_576 = arith.addf %add3A_570, %get3A_575 : vector<16xf32>
      %get3A_577 = arith.constant 800 : index
      %get3A_578 = tpu.vector_load %arg11[%get3A_577] {strides = array<i32>} : memref<4608xf32, #tpu.memory_space<vmem>>, vector<16xf32>,
      %add3A_579 = arith.addf %add3A_573, %get3A_578 : vector<16xf32>
      %get3A_580 = arith.constant 944 : index
      %get3A_581 = tpu.vector_load %arg11[%get3A_580] {strides = array<i32>} : memref<4608xf32, #tpu.memory_space<vmem>>, vector<16xf32>,
      %add3A_582 = arith.addf %add3A_576, %get3A_581 : vector<16xf32>
      %get3A_583 = arith.constant 1088 : index
      %get3A_584 = tpu.vector_load %arg11[%get3A_583] {strides = array<i32>} : memref<4608xf32, #tpu.memory_space<vmem>>, vector<16xf32>,
      %add3A_585 = arith.addf %add3A_579, %get3A_584 : vector<16xf32>
      %get3A_586 = arith.constant 1232 : index
      %get3A_587 = tpu.vector_load %arg11[%get3A_586] {strides = array<i32>} : memref<4608xf32, #tpu.memory_space<vmem>>, vector<16xf32>,
      %add3A_588 = arith.addf %add3A_582, %get3A_587 : vector<16xf32>
      %get3A_589 = arith.constant 1376 : index
      %get3A_590 = tpu.vector_load %arg11[%get3A_589] {strides = array<i32>} : memref<4608xf32, #tpu.memory_space<vmem>>, vector<16xf32>,
      %add3A_591 = arith.addf %add3A_585, %get3A_590 : vector<16xf32>
      %get3A_592 = arith.constant 1520 : index
      %get3A_593 = tpu.vector_load %arg11[%get3A_592] {strides = array<i32>} : memref<4608xf32, #tpu.memory_space<vmem>>, vector<16xf32>,
      %add3A_594 = arith.addf %add3A_588, %get3A_593 : vector<16xf32>
      %get3A_595 = arith.constant 1664 : index
      %get3A_596 = tpu.vector_load %arg11[%get3A_595] {strides = array<i32>} : memref<4608xf32, #tpu.memory_space<vmem>>, vector<16xf32>,
      %add3A_597 = arith.addf %add3A_591, %get3A_596 : vector<16xf32>
      %get3A_598 = arith.constant 1808 : index
      %get3A_599 = tpu.vector_load %arg11[%get3A_598] {strides = array<i32>} : memref<4608xf32, #tpu.memory_space<vmem>>, vector<16xf32>,
      %add3A_600 = arith.addf %add3A_594, %get3A_599 : vector<16xf32>
      %get3A_601 = arith.constant 1952 : index
      %get3A_602 = tpu.vector_load %arg11[%get3A_601] {strides = array<i32>} : memref<4608xf32, #tpu.memory_space<vmem>>, vector<16xf32>,
      %add3A_603 = arith.addf %add3A_597, %get3A_602 : vector<16xf32>
      %get3A_604 = arith.constant 2096 : index
      %get3A_605 = tpu.vector_load %arg11[%get3A_604] {strides = array<i32>} : memref<4608xf32, #tpu.memory_space<vmem>>, vector<16xf32>,
      %add3A_606 = arith.addf %add3A_600, %get3A_605 : vector<16xf32>
      %get3A_607 = arith.constant 2240 : index
      %get3A_608 = tpu.vector_load %arg11[%get3A_607] {strides = array<i32>} : memref<4608xf32, #tpu.memory_space<vmem>>, vector<16xf32>,
      %add3A_609 = arith.addf %add3A_603, %get3A_608 : vector<16xf32>
      %get3A_610 = arith.constant 2384 : index
      %get3A_611 = tpu.vector_load %arg11[%get3A_610] {strides = array<i32>} : memref<4608xf32, #tpu.memory_space<vmem>>, vector<16xf32>,
      %add3A_612 = arith.addf %add3A_606, %get3A_611 : vector<16xf32>
      %get3A_613 = arith.constant 2528 : index
      %get3A_614 = tpu.vector_load %arg11[%get3A_613] {strides = array<i32>} : memref<4608xf32, #tpu.memory_space<vmem>>, vector<16xf32>,
      %add3A_615 = arith.addf %add3A_609, %get3A_614 : vector<16xf32>
      %get3A_616 = arith.constant 2672 : index
      %get3A_617 = tpu.vector_load %arg11[%get3A_616] {strides = array<i32>} : memref<4608xf32, #tpu.memory_space<vmem>>, vector<16xf32>,
      %add3A_618 = arith.addf %add3A_612, %get3A_617 : vector<16xf32>
      %get3A_619 = arith.constant 2816 : index
      %get3A_620 = tpu.vector_load %arg11[%get3A_619] {strides = array<i32>} : memref<4608xf32, #tpu.memory_space<vmem>>, vector<16xf32>,
      %add3A_621 = arith.addf %add3A_615, %get3A_620 : vector<16xf32>
      %get3A_622 = arith.constant 2960 : index
      %get3A_623 = tpu.vector_load %arg11[%get3A_622] {strides = array<i32>} : memref<4608xf32, #tpu.memory_space<vmem>>, vector<16xf32>,
      %add3A_624 = arith.addf %add3A_618, %get3A_623 : vector<16xf32>
      %get3A_625 = arith.constant 3104 : index
      %get3A_626 = tpu.vector_load %arg11[%get3A_625] {strides = array<i32>} : memref<4608xf32, #tpu.memory_space<vmem>>, vector<16xf32>,
      %add3A_627 = arith.addf %add3A_621, %get3A_626 : vector<16xf32>
      %get3A_628 = arith.constant 3248 : index
      %get3A_629 = tpu.vector_load %arg11[%get3A_628] {strides = array<i32>} : memref<4608xf32, #tpu.memory_space<vmem>>, vector<16xf32>,
      %add3A_630 = arith.addf %add3A_624, %get3A_629 : vector<16xf32>
      %get3A_631 = arith.constant 3392 : index
      %get3A_632 = tpu.vector_load %arg11[%get3A_631] {strides = array<i32>} : memref<4608xf32, #tpu.memory_space<vmem>>, vector<16xf32>,
      %add3A_633 = arith.addf %add3A_627, %get3A_632 : vector<16xf32>
      %get3A_634 = arith.constant 3536 : index
      %get3A_635 = tpu.vector_load %arg11[%get3A_634] {strides = array<i32>} : memref<4608xf32, #tpu.memory_space<vmem>>, vector<16xf32>,
      %add3A_636 = arith.addf %add3A_630, %get3A_635 : vector<16xf32>
      %get3A_637 = arith.constant 3680 : index
      %get3A_638 = tpu.vector_load %arg11[%get3A_637] {strides = array<i32>} : memref<4608xf32, #tpu.memory_space<vmem>>, vector<16xf32>,
      %add3A_639 = arith.addf %add3A_633, %get3A_638 : vector<16xf32>
      %get3A_640 = arith.constant 3824 : index
      %get3A_641 = tpu.vector_load %arg11[%get3A_640] {strides = array<i32>} : memref<4608xf32, #tpu.memory_space<vmem>>, vector<16xf32>,
      %add3A_642 = arith.addf %add3A_636, %get3A_641 : vector<16xf32>
      %get3A_643 = arith.constant 3968 : index
      %get3A_644 = tpu.vector_load %arg11[%get3A_643] {strides = array<i32>} : memref<4608xf32, #tpu.memory_space<vmem>>, vector<16xf32>,
      %add3A_645 = arith.addf %add3A_639, %get3A_644 : vector<16xf32>
      %get3A_646 = arith.constant 4112 : index
      %get3A_647 = tpu.vector_load %arg11[%get3A_646] {strides = array<i32>} : memref<4608xf32, #tpu.memory_space<vmem>>, vector<16xf32>,
      %add3A_648 = arith.addf %add3A_642, %get3A_647 : vector<16xf32>
      %get3A_649 = arith.constant 4256 : index
      %get3A_650 = tpu.vector_load %arg11[%get3A_649] {strides = array<i32>} : memref<4608xf32, #tpu.memory_space<vmem>>, vector<16xf32>,
      %add3A_651 = arith.addf %add3A_645, %get3A_650 : vector<16xf32>
      %get3A_652 = arith.constant 4400 : index
      %get3A_653 = tpu.vector_load %arg11[%get3A_652] {strides = array<i32>} : memref<4608xf32, #tpu.memory_space<vmem>>, vector<16xf32>,
      %add3A_654 = arith.addf %add3A_648, %get3A_653 : vector<16xf32>
      %get3A_655 = arith.constant 4544 : index
      %get3A_656 = tpu.vector_load %arg11[%get3A_655] {strides = array<i32>} : memref<4608xf32, #tpu.memory_space<vmem>>, vector<16xf32>,
      %add3A_657 = arith.addf %add3A_651, %get3A_656 : vector<16xf32>
      %swap3A_658 = arith.constant 80 : index
      %swap3A_659 = tpu.vector_load %arg9[%swap3A_658] {strides = array<i32>} : memref<144xf32, #tpu.memory_space<vmem>>, vector<16xf32>,
      tpu.vector_store %arg9[%swap3A_658], %add3A_654 {strides = array<i32>} : memref<144xf32, #tpu.memory_space<vmem>>, vector<16xf32>,
      %swap3A_660 = arith.constant 80 : index
      %swap3A_661 = tpu.vector_load %arg10[%swap3A_660] {strides = array<i32>} : memref<144xf32, #tpu.memory_space<vmem>>, vector<16xf32>,
      tpu.vector_store %arg10[%swap3A_660], %add3A_657 {strides = array<i32>} : memref<144xf32, #tpu.memory_space<vmem>>, vector<16xf32>,
      %get3A_662 = arith.constant 96 : index
      %get3A_663 = tpu.vector_load %arg11[%get3A_662] {strides = array<i32>} : memref<4608xf32, #tpu.memory_space<vmem>>, vector<16xf32>,
      %add3A_664 = arith.addf %broadcast_in_dim3A_1, %get3A_663 : vector<16xf32>
      %get3A_665 = arith.constant 240 : index
      %get3A_666 = tpu.vector_load %arg11[%get3A_665] {strides = array<i32>} : memref<4608xf32, #tpu.memory_space<vmem>>, vector<16xf32>,
      %add3A_667 = arith.addf %broadcast_in_dim3A_1, %get3A_666 : vector<16xf32>
      %get3A_668 = arith.constant 384 : index
      %get3A_669 = tpu.vector_load %arg11[%get3A_668] {strides = array<i32>} : memref<4608xf32, #tpu.memory_space<vmem>>, vector<16xf32>,
      %add3A_670 = arith.addf %add3A_664, %get3A_669 : vector<16xf32>
      %get3A_671 = arith.constant 528 : index
      %get3A_672 = tpu.vector_load %arg11[%get3A_671] {strides = array<i32>} : memref<4608xf32, #tpu.memory_space<vmem>>, vector<16xf32>,
      %add3A_673 = arith.addf %add3A_667, %get3A_672 : vector<16xf32>
      %get3A_674 = arith.constant 672 : index
      %get3A_675 = tpu.vector_load %arg11[%get3A_674] {strides = array<i32>} : memref<4608xf32, #tpu.memory_space<vmem>>, vector<16xf32>,
      %add3A_676 = arith.addf %add3A_670, %get3A_675 : vector<16xf32>
      %get3A_677 = arith.constant 816 : index
      %get3A_678 = tpu.vector_load %arg11[%get3A_677] {strides = array<i32>} : memref<4608xf32, #tpu.memory_space<vmem>>, vector<16xf32>,
      %add3A_679 = arith.addf %add3A_673, %get3A_678 : vector<16xf32>
      %get3A_680 = arith.constant 960 : index
      %get3A_681 = tpu.vector_load %arg11[%get3A_680] {strides = array<i32>} : memref<4608xf32, #tpu.memory_space<vmem>>, vector<16xf32>,
      %add3A_682 = arith.addf %add3A_676, %get3A_681 : vector<16xf32>
      %get3A_683 = arith.constant 1104 : index
      %get3A_684 = tpu.vector_load %arg11[%get3A_683] {strides = array<i32>} : memref<4608xf32, #tpu.memory_space<vmem>>, vector<16xf32>,
      %add3A_685 = arith.addf %add3A_679, %get3A_684 : vector<16xf32>
      %get3A_686 = arith.constant 1248 : index
      %get3A_687 = tpu.vector_load %arg11[%get3A_686] {strides = array<i32>} : memref<4608xf32, #tpu.memory_space<vmem>>, vector<16xf32>,
      %add3A_688 = arith.addf %add3A_682, %get3A_687 : vector<16xf32>
      %get3A_689 = arith.constant 1392 : index
      %get3A_690 = tpu.vector_load %arg11[%get3A_689] {strides = array<i32>} : memref<4608xf32, #tpu.memory_space<vmem>>, vector<16xf32>,
      %add3A_691 = arith.addf %add3A_685, %get3A_690 : vector<16xf32>
      %get3A_692 = arith.constant 1536 : index
      %get3A_693 = tpu.vector_load %arg11[%get3A_692] {strides = array<i32>} : memref<4608xf32, #tpu.memory_space<vmem>>, vector<16xf32>,
      %add3A_694 = arith.addf %add3A_688, %get3A_693 : vector<16xf32>
      %get3A_695 = arith.constant 1680 : index
      %get3A_696 = tpu.vector_load %arg11[%get3A_695] {strides = array<i32>} : memref<4608xf32, #tpu.memory_space<vmem>>, vector<16xf32>,
      %add3A_697 = arith.addf %add3A_691, %get3A_696 : vector<16xf32>
      %get3A_698 = arith.constant 1824 : index
      %get3A_699 = tpu.vector_load %arg11[%get3A_698] {strides = array<i32>} : memref<4608xf32, #tpu.memory_space<vmem>>, vector<16xf32>,
      %add3A_700 = arith.addf %add3A_694, %get3A_699 : vector<16xf32>
      %get3A_701 = arith.constant 1968 : index
      %get3A_702 = tpu.vector_load %arg11[%get3A_701] {strides = array<i32>} : memref<4608xf32, #tpu.memory_space<vmem>>, vector<16xf32>,
      %add3A_703 = arith.addf %add3A_697, %get3A_702 : vector<16xf32>
      %get3A_704 = arith.constant 2112 : index
      %get3A_705 = tpu.vector_load %arg11[%get3A_704] {strides = array<i32>} : memref<4608xf32, #tpu.memory_space<vmem>>, vector<16xf32>,
      %add3A_706 = arith.addf %add3A_700, %get3A_705 : vector<16xf32>
      %get3A_707 = arith.constant 2256 : index
      %get3A_708 = tpu.vector_load %arg11[%get3A_707] {strides = array<i32>} : memref<4608xf32, #tpu.memory_space<vmem>>, vector<16xf32>,
      %add3A_709 = arith.addf %add3A_703, %get3A_708 : vector<16xf32>
      %get3A_710 = arith.constant 2400 : index
      %get3A_711 = tpu.vector_load %arg11[%get3A_710] {strides = array<i32>} : memref<4608xf32, #tpu.memory_space<vmem>>, vector<16xf32>,
      %add3A_712 = arith.addf %add3A_706, %get3A_711 : vector<16xf32>
      %get3A_713 = arith.constant 2544 : index
      %get3A_714 = tpu.vector_load %arg11[%get3A_713] {strides = array<i32>} : memref<4608xf32, #tpu.memory_space<vmem>>, vector<16xf32>,
      %add3A_715 = arith.addf %add3A_709, %get3A_714 : vector<16xf32>
      %get3A_716 = arith.constant 2688 : index
      %get3A_717 = tpu.vector_load %arg11[%get3A_716] {strides = array<i32>} : memref<4608xf32, #tpu.memory_space<vmem>>, vector<16xf32>,
      %add3A_718 = arith.addf %add3A_712, %get3A_717 : vector<16xf32>
      %get3A_719 = arith.constant 2832 : index
      %get3A_720 = tpu.vector_load %arg11[%get3A_719] {strides = array<i32>} : memref<4608xf32, #tpu.memory_space<vmem>>, vector<16xf32>,
      %add3A_721 = arith.addf %add3A_715, %get3A_720 : vector<16xf32>
      %get3A_722 = arith.constant 2976 : index
      %get3A_723 = tpu.vector_load %arg11[%get3A_722] {strides = array<i32>} : memref<4608xf32, #tpu.memory_space<vmem>>, vector<16xf32>,
      %add3A_724 = arith.addf %add3A_718, %get3A_723 : vector<16xf32>
      %get3A_725 = arith.constant 3120 : index
      %get3A_726 = tpu.vector_load %arg11[%get3A_725] {strides = array<i32>} : memref<4608xf32, #tpu.memory_space<vmem>>, vector<16xf32>,
      %add3A_727 = arith.addf %add3A_721, %get3A_726 : vector<16xf32>
      %get3A_728 = arith.constant 3264 : index
      %get3A_729 = tpu.vector_load %arg11[%get3A_728] {strides = array<i32>} : memref<4608xf32, #tpu.memory_space<vmem>>, vector<16xf32>,
      %add3A_730 = arith.addf %add3A_724, %get3A_729 : vector<16xf32>
      %get3A_731 = arith.constant 3408 : index
      %get3A_732 = tpu.vector_load %arg11[%get3A_731] {strides = array<i32>} : memref<4608xf32, #tpu.memory_space<vmem>>, vector<16xf32>,
      %add3A_733 = arith.addf %add3A_727, %get3A_732 : vector<16xf32>
      %get3A_734 = arith.constant 3552 : index
      %get3A_735 = tpu.vector_load %arg11[%get3A_734] {strides = array<i32>} : memref<4608xf32, #tpu.memory_space<vmem>>, vector<16xf32>,
      %add3A_736 = arith.addf %add3A_730, %get3A_735 : vector<16xf32>
      %get3A_737 = arith.constant 3696 : index
      %get3A_738 = tpu.vector_load %arg11[%get3A_737] {strides = array<i32>} : memref<4608xf32, #tpu.memory_space<vmem>>, vector<16xf32>,
      %add3A_739 = arith.addf %add3A_733, %get3A_738 : vector<16xf32>
      %get3A_740 = arith.constant 3840 : index
      %get3A_741 = tpu.vector_load %arg11[%get3A_740] {strides = array<i32>} : memref<4608xf32, #tpu.memory_space<vmem>>, vector<16xf32>,
      %add3A_742 = arith.addf %add3A_736, %get3A_741 : vector<16xf32>
      %get3A_743 = arith.constant 3984 : index
      %get3A_744 = tpu.vector_load %arg11[%get3A_743] {strides = array<i32>} : memref<4608xf32, #tpu.memory_space<vmem>>, vector<16xf32>,
      %add3A_745 = arith.addf %add3A_739, %get3A_744 : vector<16xf32>
      %get3A_746 = arith.constant 4128 : index
      %get3A_747 = tpu.vector_load %arg11[%get3A_746] {strides = array<i32>} : memref<4608xf32, #tpu.memory_space<vmem>>, vector<16xf32>,
      %add3A_748 = arith.addf %add3A_742, %get3A_747 : vector<16xf32>
      %get3A_749 = arith.constant 4272 : index
      %get3A_750 = tpu.vector_load %arg11[%get3A_749] {strides = array<i32>} : memref<4608xf32, #tpu.memory_space<vmem>>, vector<16xf32>,
      %add3A_751 = arith.addf %add3A_745, %get3A_750 : vector<16xf32>
      %get3A_752 = arith.constant 4416 : index
      %get3A_753 = tpu.vector_load %arg11[%get3A_752] {strides = array<i32>} : memref<4608xf32, #tpu.memory_space<vmem>>, vector<16xf32>,
      %add3A_754 = arith.addf %add3A_748, %get3A_753 : vector<16xf32>
      %get3A_755 = arith.constant 4560 : index
      %get3A_756 = tpu.vector_load %arg11[%get3A_755] {strides = array<i32>} : memref<4608xf32, #tpu.memory_space<vmem>>, vector<16xf32>,
      %add3A_757 = arith.addf %add3A_751, %get3A_756 : vector<16xf32>
      %swap3A_758 = arith.constant 96 : index
      %swap3A_759 = tpu.vector_load %arg9[%swap3A_758] {strides = array<i32>} : memref<144xf32, #tpu.memory_space<vmem>>, vector<16xf32>,
      tpu.vector_store %arg9[%swap3A_758], %add3A_754 {strides = array<i32>} : memref<144xf32, #tpu.memory_space<vmem>>, vector<16xf32>,
      %swap3A_760 = arith.constant 96 : index
      %swap3A_761 = tpu.vector_load %arg10[%swap3A_760] {strides = array<i32>} : memref<144xf32, #tpu.memory_space<vmem>>, vector<16xf32>,
      tpu.vector_store %arg10[%swap3A_760], %add3A_757 {strides = array<i32>} : memref<144xf32, #tpu.memory_space<vmem>>, vector<16xf32>,
      %get3A_762 = arith.constant 112 : index
      %get3A_763 = tpu.vector_load %arg11[%get3A_762] {strides = array<i32>} : memref<4608xf32, #tpu.memory_space<vmem>>, vector<16xf32>,
      %add3A_764 = arith.addf %broadcast_in_dim3A_1, %get3A_763 : vector<16xf32>
      %get3A_765 = arith.constant 256 : index
      %get3A_766 = tpu.vector_load %arg11[%get3A_765] {strides = array<i32>} : memref<4608xf32, #tpu.memory_space<vmem>>, vector<16xf32>,
      %add3A_767 = arith.addf %broadcast_in_dim3A_1, %get3A_766 : vector<16xf32>
      %get3A_768 = arith.constant 400 : index
      %get3A_769 = tpu.vector_load %arg11[%get3A_768] {strides = array<i32>} : memref<4608xf32, #tpu.memory_space<vmem>>, vector<16xf32>,
      %add3A_770 = arith.addf %add3A_764, %get3A_769 : vector<16xf32>
      %get3A_771 = arith.constant 544 : index
      %get3A_772 = tpu.vector_load %arg11[%get3A_771] {strides = array<i32>} : memref<4608xf32, #tpu.memory_space<vmem>>, vector<16xf32>,
      %add3A_773 = arith.addf %add3A_767, %get3A_772 : vector<16xf32>
      %get3A_774 = arith.constant 688 : index
      %get3A_775 = tpu.vector_load %arg11[%get3A_774] {strides = array<i32>} : memref<4608xf32, #tpu.memory_space<vmem>>, vector<16xf32>,
      %add3A_776 = arith.addf %add3A_770, %get3A_775 : vector<16xf32>
      %get3A_777 = arith.constant 832 : index
      %get3A_778 = tpu.vector_load %arg11[%get3A_777] {strides = array<i32>} : memref<4608xf32, #tpu.memory_space<vmem>>, vector<16xf32>,
      %add3A_779 = arith.addf %add3A_773, %get3A_778 : vector<16xf32>
      %get3A_780 = arith.constant 976 : index
      %get3A_781 = tpu.vector_load %arg11[%get3A_780] {strides = array<i32>} : memref<4608xf32, #tpu.memory_space<vmem>>, vector<16xf32>,
      %add3A_782 = arith.addf %add3A_776, %get3A_781 : vector<16xf32>
      %get3A_783 = arith.constant 1120 : index
      %get3A_784 = tpu.vector_load %arg11[%get3A_783] {strides = array<i32>} : memref<4608xf32, #tpu.memory_space<vmem>>, vector<16xf32>,
      %add3A_785 = arith.addf %add3A_779, %get3A_784 : vector<16xf32>
      %get3A_786 = arith.constant 1264 : index
      %get3A_787 = tpu.vector_load %arg11[%get3A_786] {strides = array<i32>} : memref<4608xf32, #tpu.memory_space<vmem>>, vector<16xf32>,
      %add3A_788 = arith.addf %add3A_782, %get3A_787 : vector<16xf32>
      %get3A_789 = arith.constant 1408 : index
      %get3A_790 = tpu.vector_load %arg11[%get3A_789] {strides = array<i32>} : memref<4608xf32, #tpu.memory_space<vmem>>, vector<16xf32>,
      %add3A_791 = arith.addf %add3A_785, %get3A_790 : vector<16xf32>
      %get3A_792 = arith.constant 1552 : index
      %get3A_793 = tpu.vector_load %arg11[%get3A_792] {strides = array<i32>} : memref<4608xf32, #tpu.memory_space<vmem>>, vector<16xf32>,
      %add3A_794 = arith.addf %add3A_788, %get3A_793 : vector<16xf32>
      %get3A_795 = arith.constant 1696 : index
      %get3A_796 = tpu.vector_load %arg11[%get3A_795] {strides = array<i32>} : memref<4608xf32, #tpu.memory_space<vmem>>, vector<16xf32>,
      %add3A_797 = arith.addf %add3A_791, %get3A_796 : vector<16xf32>
      %get3A_798 = arith.constant 1840 : index
      %get3A_799 = tpu.vector_load %arg11[%get3A_798] {strides = array<i32>} : memref<4608xf32, #tpu.memory_space<vmem>>, vector<16xf32>,
      %add3A_800 = arith.addf %add3A_794, %get3A_799 : vector<16xf32>
      %get3A_801 = arith.constant 1984 : index
      %get3A_802 = tpu.vector_load %arg11[%get3A_801] {strides = array<i32>} : memref<4608xf32, #tpu.memory_space<vmem>>, vector<16xf32>,
      %add3A_803 = arith.addf %add3A_797, %get3A_802 : vector<16xf32>
      %get3A_804 = arith.constant 2128 : index
      %get3A_805 = tpu.vector_load %arg11[%get3A_804] {strides = array<i32>} : memref<4608xf32, #tpu.memory_space<vmem>>, vector<16xf32>,
      %add3A_806 = arith.addf %add3A_800, %get3A_805 : vector<16xf32>
      %get3A_807 = arith.constant 2272 : index
      %get3A_808 = tpu.vector_load %arg11[%get3A_807] {strides = array<i32>} : memref<4608xf32, #tpu.memory_space<vmem>>, vector<16xf32>,
      %add3A_809 = arith.addf %add3A_803, %get3A_808 : vector<16xf32>
      %get3A_810 = arith.constant 2416 : index
      %get3A_811 = tpu.vector_load %arg11[%get3A_810] {strides = array<i32>} : memref<4608xf32, #tpu.memory_space<vmem>>, vector<16xf32>,
      %add3A_812 = arith.addf %add3A_806, %get3A_811 : vector<16xf32>
      %get3A_813 = arith.constant 2560 : index
      %get3A_814 = tpu.vector_load %arg11[%get3A_813] {strides = array<i32>} : memref<4608xf32, #tpu.memory_space<vmem>>, vector<16xf32>,
      %add3A_815 = arith.addf %add3A_809, %get3A_814 : vector<16xf32>
      %get3A_816 = arith.constant 2704 : index
      %get3A_817 = tpu.vector_load %arg11[%get3A_816] {strides = array<i32>} : memref<4608xf32, #tpu.memory_space<vmem>>, vector<16xf32>,
      %add3A_818 = arith.addf %add3A_812, %get3A_817 : vector<16xf32>
      %get3A_819 = arith.constant 2848 : index
      %get3A_820 = tpu.vector_load %arg11[%get3A_819] {strides = array<i32>} : memref<4608xf32, #tpu.memory_space<vmem>>, vector<16xf32>,
      %add3A_821 = arith.addf %add3A_815, %get3A_820 : vector<16xf32>
      %get3A_822 = arith.constant 2992 : index
      %get3A_823 = tpu.vector_load %arg11[%get3A_822] {strides = array<i32>} : memref<4608xf32, #tpu.memory_space<vmem>>, vector<16xf32>,
      %add3A_824 = arith.addf %add3A_818, %get3A_823 : vector<16xf32>
      %get3A_825 = arith.constant 3136 : index
      %get3A_826 = tpu.vector_load %arg11[%get3A_825] {strides = array<i32>} : memref<4608xf32, #tpu.memory_space<vmem>>, vector<16xf32>,
      %add3A_827 = arith.addf %add3A_821, %get3A_826 : vector<16xf32>
      %get3A_828 = arith.constant 3280 : index
      %get3A_829 = tpu.vector_load %arg11[%get3A_828] {strides = array<i32>} : memref<4608xf32, #tpu.memory_space<vmem>>, vector<16xf32>,
      %add3A_830 = arith.addf %add3A_824, %get3A_829 : vector<16xf32>
      %get3A_831 = arith.constant 3424 : index
      %get3A_832 = tpu.vector_load %arg11[%get3A_831] {strides = array<i32>} : memref<4608xf32, #tpu.memory_space<vmem>>, vector<16xf32>,
      %add3A_833 = arith.addf %add3A_827, %get3A_832 : vector<16xf32>
      %get3A_834 = arith.constant 3568 : index
      %get3A_835 = tpu.vector_load %arg11[%get3A_834] {strides = array<i32>} : memref<4608xf32, #tpu.memory_space<vmem>>, vector<16xf32>,
      %add3A_836 = arith.addf %add3A_830, %get3A_835 : vector<16xf32>
      %get3A_837 = arith.constant 3712 : index
      %get3A_838 = tpu.vector_load %arg11[%get3A_837] {strides = array<i32>} : memref<4608xf32, #tpu.memory_space<vmem>>, vector<16xf32>,
      %add3A_839 = arith.addf %add3A_833, %get3A_838 : vector<16xf32>
      %get3A_840 = arith.constant 3856 : index
      %get3A_841 = tpu.vector_load %arg11[%get3A_840] {strides = array<i32>} : memref<4608xf32, #tpu.memory_space<vmem>>, vector<16xf32>,
      %add3A_842 = arith.addf %add3A_836, %get3A_841 : vector<16xf32>
      %get3A_843 = arith.constant 4000 : index
      %get3A_844 = tpu.vector_load %arg11[%get3A_843] {strides = array<i32>} : memref<4608xf32, #tpu.memory_space<vmem>>, vector<16xf32>,
      %add3A_845 = arith.addf %add3A_839, %get3A_844 : vector<16xf32>
      %get3A_846 = arith.constant 4144 : index
      %get3A_847 = tpu.vector_load %arg11[%get3A_846] {strides = array<i32>} : memref<4608xf32, #tpu.memory_space<vmem>>, vector<16xf32>,
      %add3A_848 = arith.addf %add3A_842, %get3A_847 : vector<16xf32>
      %get3A_849 = arith.constant 4288 : index
      %get3A_850 = tpu.vector_load %arg11[%get3A_849] {strides = array<i32>} : memref<4608xf32, #tpu.memory_space<vmem>>, vector<16xf32>,
      %add3A_851 = arith.addf %add3A_845, %get3A_850 : vector<16xf32>
      %get3A_852 = arith.constant 4432 : index
      %get3A_853 = tpu.vector_load %arg11[%get3A_852] {strides = array<i32>} : memref<4608xf32, #tpu.memory_space<vmem>>, vector<16xf32>,
      %add3A_854 = arith.addf %add3A_848, %get3A_853 : vector<16xf32>
      %get3A_855 = arith.constant 4576 : index
      %get3A_856 = tpu.vector_load %arg11[%get3A_855] {strides = array<i32>} : memref<4608xf32, #tpu.memory_space<vmem>>, vector<16xf32>,
      %add3A_857 = arith.addf %add3A_851, %get3A_856 : vector<16xf32>
      %swap3A_858 = arith.constant 112 : index
      %swap3A_859 = tpu.vector_load %arg9[%swap3A_858] {strides = array<i32>} : memref<144xf32, #tpu.memory_space<vmem>>, vector<16xf32>,
      tpu.vector_store %arg9[%swap3A_858], %add3A_854 {strides = array<i32>} : memref<144xf32, #tpu.memory_space<vmem>>, vector<16xf32>,
      %swap3A_860 = arith.constant 112 : index
      %swap3A_861 = tpu.vector_load %arg10[%swap3A_860] {strides = array<i32>} : memref<144xf32, #tpu.memory_space<vmem>>, vector<16xf32>,
      tpu.vector_store %arg10[%swap3A_860], %add3A_857 {strides = array<i32>} : memref<144xf32, #tpu.memory_space<vmem>>, vector<16xf32>,
      %get3A_862 = arith.constant 5904 : index
      %get3A_863 = tpu.vector_load %arg8[%get3A_862] {strides = array<i32>} : memref<6272xi32, #tpu.memory_space<vmem>>, vector<16xi32>,
      %slice3A = vector.extract_strided_slice %get3A_863 {offsets = [15], sizes = [1], strides = [1]} : vector<16xi32> to vector<1xi32>
      %squeeze3A = vector.extract %slice3A[0] : i32 from vector<1xi32>
      %get3A_864 = arith.constant 0 : index
      %get3A_865 = tpu.vector_load %arg9[%get3A_864] {strides = array<i32>} : memref<144xf32, #tpu.memory_space<vmem>>, vector<16xf32>,
      %get3A_866 = arith.constant 0 : index
      %get3A_867 = tpu.vector_load %arg10[%get3A_866] {strides = array<i32>} : memref<144xf32, #tpu.memory_space<vmem>>, vector<16xf32>,
      %div3A = arith.divf %get3A_865, %get3A_867 : vector<16xf32>
      %add3A_868 = arith.constant 0 : i32
      %add3A_869 = vector.broadcast %add3A_868 : i32 to vector<16xi32>
      %add3A_870 = arith.addi %iota3A, %add3A_869 : vector<16xi32>
      %le3A = vector.broadcast %squeeze3A : i32 to vector<16xi32>
      %le3A_871 = arith.cmpi sle, %add3A_870, %le3A : vector<16xi32>
      %select_n3A = arith.select %le3A_871, %div3A, %broadcast_in_dim3A_1 : vector<16xi1>, vector<16xf32>
      %add3A_872 = arith.addf %broadcast_in_dim3A_1, %select_n3A : vector<16xf32>
      %get3A_873 = arith.constant 16 : index
      %get3A_874 = tpu.vector_load %arg9[%get3A_873] {strides = array<i32>} : memref<144xf32, #tpu.memory_space<vmem>>, vector<16xf32>,
      %get3A_875 = arith.constant 16 : index
      %get3A_876 = tpu.vector_load %arg10[%get3A_875] {strides = array<i32>} : memref<144xf32, #tpu.memory_space<vmem>>, vector<16xf32>,
      %div3A_877 = arith.divf %get3A_874, %get3A_876 : vector<16xf32>
      %add3A_878 = arith.constant 16 : i32
      %add3A_879 = vector.broadcast %add3A_878 : i32 to vector<16xi32>
      %add3A_880 = arith.addi %iota3A, %add3A_879 : vector<16xi32>
      %le3A_881 = vector.broadcast %squeeze3A : i32 to vector<16xi32>
      %le3A_882 = arith.cmpi sle, %add3A_880, %le3A_881 : vector<16xi32>
      %select_n3A_883 = arith.select %le3A_882, %div3A_877, %broadcast_in_dim3A_1 : vector<16xi1>, vector<16xf32>
      %add3A_884 = arith.addf %add3A_872, %select_n3A_883 : vector<16xf32>
      %get3A_885 = arith.constant 32 : index
      %get3A_886 = tpu.vector_load %arg9[%get3A_885] {strides = array<i32>} : memref<144xf32, #tpu.memory_space<vmem>>, vector<16xf32>,
      %get3A_887 = arith.constant 32 : index
      %get3A_888 = tpu.vector_load %arg10[%get3A_887] {strides = array<i32>} : memref<144xf32, #tpu.memory_space<vmem>>, vector<16xf32>,
      %div3A_889 = arith.divf %get3A_886, %get3A_888 : vector<16xf32>
      %add3A_890 = arith.constant 32 : i32
      %add3A_891 = vector.broadcast %add3A_890 : i32 to vector<16xi32>
      %add3A_892 = arith.addi %iota3A, %add3A_891 : vector<16xi32>
      %le3A_893 = vector.broadcast %squeeze3A : i32 to vector<16xi32>
      %le3A_894 = arith.cmpi sle, %add3A_892, %le3A_893 : vector<16xi32>
      %select_n3A_895 = arith.select %le3A_894, %div3A_889, %broadcast_in_dim3A_1 : vector<16xi1>, vector<16xf32>
      %add3A_896 = arith.addf %add3A_884, %select_n3A_895 : vector<16xf32>
      %get3A_897 = arith.constant 48 : index
      %get3A_898 = tpu.vector_load %arg9[%get3A_897] {strides = array<i32>} : memref<144xf32, #tpu.memory_space<vmem>>, vector<16xf32>,
      %get3A_899 = arith.constant 48 : index
      %get3A_900 = tpu.vector_load %arg10[%get3A_899] {strides = array<i32>} : memref<144xf32, #tpu.memory_space<vmem>>, vector<16xf32>,
      %div3A_901 = arith.divf %get3A_898, %get3A_900 : vector<16xf32>
      %add3A_902 = arith.constant 48 : i32
      %add3A_903 = vector.broadcast %add3A_902 : i32 to vector<16xi32>
      %add3A_904 = arith.addi %iota3A, %add3A_903 : vector<16xi32>
      %le3A_905 = vector.broadcast %squeeze3A : i32 to vector<16xi32>
      %le3A_906 = arith.cmpi sle, %add3A_904, %le3A_905 : vector<16xi32>
      %select_n3A_907 = arith.select %le3A_906, %div3A_901, %broadcast_in_dim3A_1 : vector<16xi1>, vector<16xf32>
      %add3A_908 = arith.addf %add3A_896, %select_n3A_907 : vector<16xf32>
      %get3A_909 = arith.constant 64 : index
      %get3A_910 = tpu.vector_load %arg9[%get3A_909] {strides = array<i32>} : memref<144xf32, #tpu.memory_space<vmem>>, vector<16xf32>,
      %get3A_911 = arith.constant 64 : index
      %get3A_912 = tpu.vector_load %arg10[%get3A_911] {strides = array<i32>} : memref<144xf32, #tpu.memory_space<vmem>>, vector<16xf32>,
      %div3A_913 = arith.divf %get3A_910, %get3A_912 : vector<16xf32>
      %add3A_914 = arith.constant 64 : i32
      %add3A_915 = vector.broadcast %add3A_914 : i32 to vector<16xi32>
      %add3A_916 = arith.addi %iota3A, %add3A_915 : vector<16xi32>
      %le3A_917 = vector.broadcast %squeeze3A : i32 to vector<16xi32>
      %le3A_918 = arith.cmpi sle, %add3A_916, %le3A_917 : vector<16xi32>
      %select_n3A_919 = arith.select %le3A_918, %div3A_913, %broadcast_in_dim3A_1 : vector<16xi1>, vector<16xf32>
      %add3A_920 = arith.addf %add3A_908, %select_n3A_919 : vector<16xf32>
      %get3A_921 = arith.constant 80 : index
      %get3A_922 = tpu.vector_load %arg9[%get3A_921] {strides = array<i32>} : memref<144xf32, #tpu.memory_space<vmem>>, vector<16xf32>,
      %get3A_923 = arith.constant 80 : index
      %get3A_924 = tpu.vector_load %arg10[%get3A_923] {strides = array<i32>} : memref<144xf32, #tpu.memory_space<vmem>>, vector<16xf32>,
      %div3A_925 = arith.divf %get3A_922, %get3A_924 : vector<16xf32>
      %add3A_926 = arith.constant 80 : i32
      %add3A_927 = vector.broadcast %add3A_926 : i32 to vector<16xi32>
      %add3A_928 = arith.addi %iota3A, %add3A_927 : vector<16xi32>
      %le3A_929 = vector.broadcast %squeeze3A : i32 to vector<16xi32>
      %le3A_930 = arith.cmpi sle, %add3A_928, %le3A_929 : vector<16xi32>
      %select_n3A_931 = arith.select %le3A_930, %div3A_925, %broadcast_in_dim3A_1 : vector<16xi1>, vector<16xf32>
      %add3A_932 = arith.addf %add3A_920, %select_n3A_931 : vector<16xf32>
      %get3A_933 = arith.constant 96 : index
      %get3A_934 = tpu.vector_load %arg9[%get3A_933] {strides = array<i32>} : memref<144xf32, #tpu.memory_space<vmem>>, vector<16xf32>,
      %get3A_935 = arith.constant 96 : index
      %get3A_936 = tpu.vector_load %arg10[%get3A_935] {strides = array<i32>} : memref<144xf32, #tpu.memory_space<vmem>>, vector<16xf32>,
      %div3A_937 = arith.divf %get3A_934, %get3A_936 : vector<16xf32>
      %add3A_938 = arith.constant 96 : i32
      %add3A_939 = vector.broadcast %add3A_938 : i32 to vector<16xi32>
      %add3A_940 = arith.addi %iota3A, %add3A_939 : vector<16xi32>
      %le3A_941 = vector.broadcast %squeeze3A : i32 to vector<16xi32>
      %le3A_942 = arith.cmpi sle, %add3A_940, %le3A_941 : vector<16xi32>
      %select_n3A_943 = arith.select %le3A_942, %div3A_937, %broadcast_in_dim3A_1 : vector<16xi1>, vector<16xf32>
      %add3A_944 = arith.addf %add3A_932, %select_n3A_943 : vector<16xf32>
      %get3A_945 = arith.constant 112 : index
      %get3A_946 = tpu.vector_load %arg9[%get3A_945] {strides = array<i32>} : memref<144xf32, #tpu.memory_space<vmem>>, vector<16xf32>,
      %get3A_947 = arith.constant 112 : index
      %get3A_948 = tpu.vector_load %arg10[%get3A_947] {strides = array<i32>} : memref<144xf32, #tpu.memory_space<vmem>>, vector<16xf32>,
      %div3A_949 = arith.divf %get3A_946, %get3A_948 : vector<16xf32>
      %add3A_950 = arith.constant 112 : i32
      %add3A_951 = vector.broadcast %add3A_950 : i32 to vector<16xi32>
      %add3A_952 = arith.addi %iota3A, %add3A_951 : vector<16xi32>
      %le3A_953 = vector.broadcast %squeeze3A : i32 to vector<16xi32>
      %le3A_954 = arith.cmpi sle, %add3A_952, %le3A_953 : vector<16xi32>
      %select_n3A_955 = arith.select %le3A_954, %div3A_949, %broadcast_in_dim3A_1 : vector<16xi1>, vector<16xf32>
      %add3A_956 = arith.addf %add3A_944, %select_n3A_955 : vector<16xf32>
      %broadcast_in_dim3A_957 = arith.constant true
      %broadcast_in_dim3A_958 = vector.broadcast %broadcast_in_dim3A_957 : i1 to vector<16xi1>
      %masked_cumsum3A = tpu.scan <sum>, %add3A_956 masked %broadcast_in_dim3A_958 : vector<16xf32>, vector<16xi1> -> vector<16xf32>
      %slice3A_959 = vector.extract_strided_slice %masked_cumsum3A {offsets = [15], sizes = [1], strides = [1]} : vector<16xf32> to vector<1xf32>
      %squeeze3A_960 = vector.extract %slice3A_959[0] : f32 from vector<1xf32>
      %add3A_961 = vector.broadcast %squeeze3A_960 : f32 to vector<16xf32>
      %add3A_962 = arith.addf %broadcast_in_dim3A_1, %add3A_961 : vector<16xf32>
      %add3A_963 = arith.constant 1 : i32
      %add3A_964 = arith.addi %squeeze3A, %add3A_963 : i32
      %convert_element_type3A_965 = arith.sitofp %add3A_964 : i32 to f32
      %add3A_966 = vector.broadcast %convert_element_type3A_965 : f32 to vector<16xf32>
      %add3A_967 = arith.addf %broadcast_in_dim3A_1, %add3A_966 : vector<16xf32>
      %div3A_968 = arith.divf %add3A_962, %add3A_967 : vector<16xf32>
      %mul3A_969 = arith.constant 1.000000e+04 : f32
      %mul3A_970 = vector.broadcast %mul3A_969 : f32 to vector<16xf32>
      %mul3A_971 = arith.mulf %div3A_968, %mul3A_970 : vector<16xf32>
      %swap3A_972 = arith.constant 0 : index
      %swap3A_973 = tpu.vector_load %arg12[%swap3A_972] {strides = array<i32>} : memref<16xf32, #tpu.memory_space<vmem>>, vector<16xf32>,
      tpu.vector_store %arg12[%swap3A_972], %mul3A_971 {strides = array<i32>} : memref<16xf32, #tpu.memory_space<vmem>>, vector<16xf32>,
      "tpu.region"() ({
        %run_scoped3A = tpu.sem_alloc : memref<!tpu.dma_semaphore, #tpu.memory_space<semaphore_mem>>
        tpu.enqueue_dma source(%arg12 : memref<16xf32, #tpu.memory_space<vmem>>) target(%arg5 : memref<16xf32, #tpu.memory_space<hbm>>) target_semaphore(%run_scoped3A : memref<!tpu.dma_semaphore, #tpu.memory_space<semaphore_mem>>)
        tpu.wait_dma2 semaphore(%run_scoped3A : memref<!tpu.dma_semaphore, #tpu.memory_space<semaphore_mem>>) src(%arg12 : memref<16xf32, #tpu.memory_space<vmem>>) dst(%arg5 : memref<16xf32, #tpu.memory_space<hbm>>)
        tpu.yield
      }) : () -> ()
    } else {
    }
    return
  }
}

</mosaic_0001>

<sc_bundles>
// kernel: kernel.3.cloned.1.call-start
scs
__scs_entry_jumppad:
0x0: {  	(pc) =	sbr.rel $0x88, $3  }
0x1: {  	(tag) =	ssettag $0x0;
	lr =	simm.s32 $0x1  }
0x2: {  	[smem:$0x3F9E] =	sst lr;
	_ =	strace $0xD0000000  }
0x3: {  	_ = 	snop  }
0x4: {  	_ = 	snop  }
0x5: {  	_ = 	snop  }
0x6: {  	_ = 	snop  }
0x7: {  	_ = 	snop  }
__scs_overlays_trampoline_lowered:
0x8: {  	[smem:$0x3FAD] =	sst s0  }
0x9: {  	[smem:$0x3FAE] =	sst s1  }
0xa: {  	[smem:$0x3FAF] =	sst s2  }
0xb: {  	[smem:$0x3FB0] =	sst s3  }
0xc: {  	[smem:$0x3FB1] =	sst s4  }
0xd: {  	[smem:$0x3FB2] =	sst s5  }
0xe: {  	[smem:$0x3FB3] =	sst s6  }
0xf: {  	[smem:$0x3FB4] =	sst s7  }
0x10: {  	[smem:$0x3FB5] =	sst s8  }
0x11: {  	[smem:$0x3FB6] =	sst s9;
	s0 =	simm.s32 @!p0 $0x0  }
0x12: {  	s1 =	sld [smem:$0x3F9C];
	s0 =	simm.s32 @p0 $0x1  }
0x13: {  	[smem:$0x3FB7] =	sst s0;
	s0 =	simm.s32 @!p1 $0x0  }
0x14: {  	s2 =	sld [smem:$0x3F9B];
	s0 =	simm.s32 @p1 $0x1  }
0x15: {  	[smem:$0x3FB8] =	sst s0;
	s0 =	simm.s32 @!p2 $0x0  }
0x16: {  	s3 =	sld [smem:$0x3FDB];
	s0 =	simm.s32 @p2 $0x1  }
0x17: {  	s4 =	simm.s32 $0x1BF5;
	[smem:$0x3FBA] =	sst s0  }
0x18: {  	s0 =	sld [smem:$0x3F9D];
	_ =	swait.ge [sflag:s4], $0x0  }
0x19: {  	s7 =	sld [smem:$0x3F9E]  }
0x1a: {  	s8 =	sadd.s32 $0xFFFFE003, lr  }
0x1b: {  	s9 =	sadd.s32 $0xFFFFFEF7, lr;
	s5 =	simm.s32 $0xFFFFFFFF;
	p2 =	slt.u32 s8, $0xFFFFF086  }
0x1c: {  	p1 =	slt.u32 s9, $0xF7A;
	s5 =	simm.s32 @!p2 $0x0  }
0x1d: {  	s5 =	simm.s32 @p1 $0x1;
	p0 =	seq.s32 s7, s2  }
0x1e: {  	s7 =	smul.u32 @!p0 $0xF7A, s2;
	p2 =	seq.s32 @!p0 s5, $0x0  }
0x1f: {  	s9 =	smul.u32 $0xF7A, s1;
	s8 =	simm.s32 @!p0 $0x1BF5;
	p2 =	por !p2, p0  }
0x20: {  	[sflag:s8] =	ssyncset.s32 @!p0 $0xFFFFF086;
	s6 =	sadd.s32 @!p0 s3, s7;
	s7 =	simm.s32 @!p0 $0x108  }
0x21: {  	s3 =	sadd.s32 s3, s9;
	s6 =	sadd.s32 @!p0 $0x88, s6;
	s7 =	simm.s32 @p2 $0x1082  }
0x22: {  	[simem:s7], [sflag:s8] =	dma.local @!p0 [hbm:s6], $0xF7A  }
0x23: {  	s9 =	sor.u32 $0xD0000000, s2;
	s6 =	simm.s32 $0x108;
	_ =	swait.ge @!p0 [sflag:s8], $0x0  }
0x24: {  	s3 =	sadd.s32 $0x88, s3;
	s6 =	simm.s32 @!p1 $0x1082;
	[sflag:s4] =	ssyncset.s32 $0xFFFFF086  }
0x25: {  	[simem:s6], [sflag:s4] =	dma.local [hbm:s3], $0xF7A  }
0x26: {  	[smem:$0x3F9E] =	sst s1;
	(tag) =	ssettag s2;
	_ =	strace s9  }
0x27: {  	s1 =	sld [smem:$0x3FAE]  }
0x28: {  	s2 =	sld [smem:$0x3FAF]  }
0x29: {  	s4 =	sld [smem:$0x3FB1]  }
0x2a: {  	p0 =	seq.s32 s5, $0x0;
	s5 =	sld [smem:$0x3FB2]  }
0x2b: {  	s6 =	sld [smem:$0x3FB3]  }
0x2c: {  	s7 =	sld [smem:$0x3FB4]  }
0x2d: {  	s3 =	simm.s32 $0x108;
	s8 =	sld [smem:$0x3FB5]  }
0x2e: {  	s3 =	simm.s32 @!p0 $0x1082;
	s9 =	sld [smem:$0x3FB6]  }
0x2f: {  	lr =	sadd.s32 s0, s3;
	s0 =	sld [smem:$0x3FAD]  }
0x30: {  	s3 =	sld [smem:$0x3FB0]  }
0x31: {  	[smem:$0x3FB9] =	sst s10  }
0x32: {  	s10 =	sld [smem:$0x3FB7];
	_ =	sdelay $0x3  }
0x33: {  	p0 =	seq.s32 s10, $0x1;
	s10 =	sld [smem:$0x3FB9];
	_ =	sdelay $0x3  }
0x34: {  	[smem:$0x3FB9] =	sst s10  }
0x35: {  	s10 =	sld [smem:$0x3FB8];
	_ =	sdelay $0x3  }
0x36: {  	p1 =	seq.s32 s10, $0x1;
	s10 =	sld [smem:$0x3FB9];
	_ =	sdelay $0x3  }
0x37: {  	[smem:$0x3FB9] =	sst s10  }
0x38: {  	s10 =	sld [smem:$0x3FBA]  }
0x39: {  	_ = 	snop;
	(pc) =	sbr.ind lr, $3  }
0x3a: {  	_ = 	snop  }
0x3b: {  	_ = 	snop  }
0x3c: {  	p2 =	seq.s32 s10, $0x1;
	s10 =	sld [smem:$0x3FB9]  }
0x3d: {  	_ =	shalt  }
0x3e: {  	_ =	shalt  }
0x3f: {  	_ =	shalt  }
0x40: {  	_ =	shalt  }
0x41: {  	_ =	shalt  }
0x42: {  	_ =	shalt  }
0x43: {  	_ =	shalt  }
0x44: {  	_ =	shalt  }
0x45: {  	_ =	shalt  }
0x46: {  	_ =	shalt  }
0x47: {  	_ =	shalt  }
0x48: {  	_ =	shalt  }
0x49: {  	_ =	shalt  }
0x4a: {  	_ =	shalt  }
0x4b: {  	_ =	shalt  }
0x4c: {  	_ =	shalt  }
0x4d: {  	_ =	shalt  }
0x4e: {  	_ =	shalt  }
0x4f: {  	_ =	shalt  }
0x50: {  	_ =	shalt  }
0x51: {  	_ =	shalt  }
0x52: {  	_ =	shalt  }
0x53: {  	_ =	shalt  }
0x54: {  	_ =	shalt  }
0x55: {  	_ =	shalt  }
0x56: {  	_ =	shalt  }
0x57: {  	_ =	shalt  }
0x58: {  	_ =	shalt  }
0x59: {  	_ =	shalt  }
0x5a: {  	_ =	shalt  }
0x5b: {  	_ =	shalt  }
0x5c: {  	_ =	shalt  }
0x5d: {  	_ =	shalt  }
0x5e: {  	_ =	shalt  }
0x5f: {  	_ =	shalt  }
0x60: {  	_ =	shalt  }
0x61: {  	_ =	shalt  }
0x62: {  	_ =	shalt  }
0x63: {  	_ =	shalt  }
0x64: {  	_ =	shalt  }
0x65: {  	_ =	shalt  }
0x66: {  	_ =	shalt  }
0x67: {  	_ =	shalt  }
0x68: {  	_ =	shalt  }
0x69: {  	_ =	shalt  }
0x6a: {  	_ =	shalt  }
0x6b: {  	_ =	shalt  }
0x6c: {  	_ =	shalt  }
0x6d: {  	_ =	shalt  }
0x6e: {  	_ =	shalt  }
0x6f: {  	_ =	shalt  }
0x70: {  	_ =	shalt  }
0x71: {  	_ =	shalt  }
0x72: {  	_ =	shalt  }
0x73: {  	_ =	shalt  }
0x74: {  	_ =	shalt  }
0x75: {  	_ =	shalt  }
0x76: {  	_ =	shalt  }
0x77: {  	_ =	shalt  }
0x78: {  	_ =	shalt  }
0x79: {  	_ =	shalt  }
0x7a: {  	_ =	shalt  }
0x7b: {  	_ =	shalt  }
0x7c: {  	_ =	shalt  }
0x7d: {  	_ =	shalt  }
0x7e: {  	_ =	shalt  }
0x7f: {  	_ =	shalt  }
0x80: {  	_ =	shalt  }
0x81: {  	_ =	shalt  }
0x82: {  	_ =	shalt  }
0x83: {  	_ =	shalt  }
0x84: {  	_ =	shalt  }
0x85: {  	_ =	shalt  }
0x86: {  	_ =	shalt  }
0x87: {  	_ =	shalt  }
.Lfunc_end0:
.L_simem_size_0:
called_computation_lowered:
.L_overlay_start_0:
0x88: {  	s0 =	sld [smem:$0x3FD9]  }
0x89: {  	s1 =	sld [smem:$0x3FFE];
	_ =	sdelay $0x3  }
0x8a: {  	s0 =	sadd.s32 s1, s0  }
0x8b: {  	[smem:$0x3FC5] =	sst s0  }
0x8c: {  	_ = 	snop  }
0x8d: {  	s0 =	sld [smem:$0x3FC9]  }
0x8e: {  	s17 =	sld [smem:$0x3FC8]  }
0x8f: {  	s2 =	sld [smem:$0x3FC7]  }
0x90: {  	s3 =	sld [smem:$0x3FD0];
	(tm) =	ssettm $0x1  }
0x91: {  	s4 =	sld [smem:$0x3FFB];
	_ =	sdelay $0x3  }
0x92: {  	_ =	strace s4  }
0x93: {  	s4 =	sld [smem:$0x3FFC];
	_ =	sdelay $0x3  }
0x94: {  	_ =	strace s4  }
0x95: {  	s4 =	sld [smem:$0x3FFD];
	_ =	sdelay $0x3  }
0x96: {  	_ =	strace s4  }
0x97: {  	_ =	strace $0x8FFFFFFF  }
0x98: {  	s18 =	sld [smem:$0x3FDB];
	_ =	sdelay $0x1  }
0x99: {  	s5 =	simm.s32 $_scs_section_size  }
0x9a: {  	s6 =	simm.s32 $_size__tile_overlayer_lowered;
	s7 =	simm.s32 $_tile_overlayer_lowered  }
0x9b: {  	s21 =	simm.s32 $0x1BFF;
	s20 =	sshll.u32 s7, $0x1;
	s4 =	sadd.s32 s5, s18  }
0x9c: {  	s8 =	simm.s32 $0x0;
	s19 =	sshll.u32 s6, $0x1;
	s6 =	sadd.s32 s20, s4  }
0x9d: {  	[timem:s8], [sflag:s21] =	dma.local [hbm:s6], s19  }
0x9e: {  	_ =	swait.ge [sflag:s21], s19  }
0x9f: {  	s5 =	ssub.s32 $0x0, s19;
	[sflag:s21] =	ssyncset.done $0x0  }
0xa0: {  	[sflag:s21] =	ssyncadd.s32 s5;
	_ =	sdelay $0x1  }
0xa1: {  	s22 =	simm.s32 $0x1B8B  }
0xa2: {  	_ =	swait.ge [sflag:s22], $0x1  }
0xa3: {  	[sflag:s22] =	ssyncset.done $0x0  }
0xa4: {  	s23 =	simm.s32 $0x1B8E;
	[sflag:s22] =	ssyncadd.s32 $0xFFFFFFFF  }
0xa5: {  	s24 =	simm.s32 $execute0_lowered;
	[smem:$0x3FD2] =	sst s23  }
0xa6: {  	s5 =	sshll.u32 s24, $0x1;
	_ =	strace $0x80000046;
	[dreg:$0x1] =	wrdreg $0xFFFFFFFF  }
0xa7: {  	s25 =	simm.s32 $_size_execute0_lowered;
	s4 =	sadd.s32 s4, s5;
	[dreg:$0x0] =	wrdreg $0x0  }
0xa8: {  	s5 =	sshll.u32 s25, $0x1;
	[dreg:$0x2] =	wrdreg s4  }
0xa9: {  	[dreg:$0x3] =	wrdreg s5  }
0xaa: {  	[dreg:$0x4] =	wrdreg $0xC0  }
0xab: {  	_ =	task [dreg:s8], $0x5FFFF  }
0xac: {  	[dreg:$0x1] =	wrdreg $0xFFFFFFFF  }
0xad: {  	[dreg:$0x0] =	wrdreg $0x60  }
0xae: {  	[dreg:$0x2] =	wrdreg s0  }
0xaf: {  	[dreg:$0x3] =	wrdreg s17  }
0xb0: {  	[dreg:$0x4] =	wrdreg s2  }
0xb1: {  	[dreg:$0x5] =	wrdreg s3  }
0xb2: {  	[dreg:$0x6] =	wrdreg $0x5E000  }
0xb3: {  	[dreg:$0x7] =	wrdreg $0x9  }
0xb4: {  	_ =	task.clear_ibuf [dreg:s8], $0x8FFFF;
	_ =	strace $0x90000046  }
0xb5: {  	s26 =	simm.s32 $0x9;
	_ =	strace $0x80000048  }
0xb6: {  	_ =	swait.ge [sflag:s26], $0x1  }
0xb7: {  	[sflag:s26] =	ssyncadd.s32 $0xFFFFFFFF  }
0xb8: {  	_ =	strace $0x90000048  }
0xb9: {  	_ =	sfence  }
0xba: {  	s28 =	sld [smem:$0x0];
	_ =	sdelay $0x1  }
0xbb: {  	s29 =	srdreg.scid  }
0xbc: {  	s30 =	sshll.u32 s29, $0xD;
	s31 =	sshrl.u32 s29, $0x2  }
0xbd: {  	s1 =	sand.u32 $0x1, s29;
	s2 =	sand.u32 $0x4000, s30;
	s0 =	sadd.s32 s31, s28  }
0xbe: {  	s1 =	sor.u32 s2, s1;
	s0 =	sshll.u32 s0, $0x11  }
0xbf: {  	s0 =	sor.u32 s0, s1  }
0xc0: {  	s0 =	sadd.s32 $0x8F2B, s0  }
0xc1: {  	[sflag:s0] =	ssyncadd.remote.s32 $0x1  }
0xc2: {  	_ =	sfence.sel $0xFFFF  }
0xc3: {  	[dreg:$0x0] =	wrdreg $0xFFFFFFFF;
	(pc) =	sbr.abs _section_cstart, $3  }
0xc4: {  	[dreg:$0x1] =	wrdreg $0xFFFFFFFF  }
0xc5: {  	_ =	task.clear_ibuf [dreg:s8], $0x2FFFF;
	_ =	strace $0x9FFFFFFF  }
0xc6: {  	(tm) =	ssettm $0x7FFFFFFF  }
0xc7: {  	_ =	shalt  }
tec
execute0_lowered:
.L_overlay_start_1:
0x0: {  	(tag) =	ssettag $0x1  }
0x1: {  	s9 =	rddreg [dreg:$0x0]  }
0x2: {  	s7 =	rddreg [dreg:$0x1]  }
0x3: {  	s8 =	rddreg [dreg:$0x2]  }
0x4: {  	s2 =	rddreg [dreg:$0x3]  }
0x5: {  	s6 =	rddreg [dreg:$0x4];
	s3 =	simm.s32 $0x0  }
0x6: {  	v0 =	vimm.f32 $0.0e+00;
	[smem:$0x7FF] =	sst s3  }
0x7: {  	s0 =	rddreg [dreg:$0x5];
	_ =	strace $0x80000047;
	[tilespmem:$0x4980] =	vst v0  }
0x8: {  	[tilespmem:$0x4A80] =	vst v0  }
0x9: {  	[tilespmem:$0x4990] =	vst v0  }
0xa: {  	[tilespmem:$0x4A90] =	vst v0  }
0xb: {  	[tilespmem:$0x49A0] =	vst v0  }
0xc: {  	[tilespmem:$0x4AA0] =	vst v0  }
0xd: {  	[tilespmem:$0x49B0] =	vst v0  }
0xe: {  	[tilespmem:$0x4AB0] =	vst v0  }
0xf: {  	[tilespmem:$0x49C0] =	vst v0  }
0x10: {  	[tilespmem:$0x4AC0] =	vst v0  }
0x11: {  	[tilespmem:$0x49D0] =	vst v0  }
0x12: {  	s1 =	stileid.u32;
	[tilespmem:$0x4AD0] =	vst v0  }
0x13: {  	s4 =	smul.u32 $0x480, s1;
	p0 =	seq.s32 s1, $0xF;
	[tilespmem:$0x49E0] =	vst v0  }
.Ltmp0:
0x14: {  	[tilespmem:$0x4AE0] =	vst v0;
	(pc) =	sbr.rel @!p0 .LBB2_1-.Ltmp0, $4  }
0x15: {  	[tilespmem:$0x49F0] =	vst v0  }
0x16: {  	[tilespmem:$0x4AF0] =	vst v0;
	s4 =	sshrl.u32 s4, $0x2  }
0x17: {  	[tilespmem:$0x4A00] =	vst v0;
	s4 =	sadd.s32 s4, s6  }
0x18: {  	[tilespmem:$0x4B00] =	vst v0;
	s5 =	sadd.s32 $0x90, s4  }
0x19: {  	s9 =	sadd.s32 $0x2DF0, s9  }
0x1a: {  	[tilespmem:s3], [sflag:$0x1] =	stream.linear.gather [hbm4b:s9+s3], $0x1720, $0x38;
	[tilespmem:$0x5F20] =	vst v63  }
0x1b: {  	s24 =	sadd.s32 $0x2DF0, s7;
	s7 =	simm.s32 $0x1880  }
0x1c: {  	[tilespmem:s7], [sflag:$0x2] =	stream.linear.gather [hbm4b:s24+s3], $0x1720, $0x38;
	[tilespmem:$0x5F20] =	vst v63  }
0x1d: {  	s25 =	sadd.s32 $0x2DF0, s8;
	s8 =	simm.s32 $0x3100;
	s26 =	simm.s32 $0x1  }
0x1e: {  	[tilespmem:s8], [sflag:$0x3] =	stream.linear.gather [hbm4b:s25+s3], $0x1720, $0x38;
	[tilespmem:$0x5F20] =	vst v63  }
0x1f: {  	_ =	swait.ge [sflag:s26], $0x1720  }
0x20: {  	v0 =	vlaneseq.u32;
	[sflag:s26] =	ssyncset.done $0x0  }
0x21: {  	s28 =	simm.s32 $0x2;
	v0 =	vmul.u32 $0x172, v0;
	[sflag:s26] =	ssyncadd.s32 $0xFFFFE8E0  }
0x22: {  	_ =	swait.ge [sflag:s28], $0x1720  }
0x23: {  	v1 =	vadd.s32 s3, v0;
	[sflag:s28] =	ssyncset.done $0x0  }
0x24: {  	s29 =	simm.s32 $0x3;
	[sflag:s28] =	ssyncadd.s32 $0xFFFFE8E0  }
0x25: {  	_ =	swait.ge [sflag:s29], $0x1720  }
0x26: {  	[sflag:s29] =	ssyncset.done $0x0  }
0x27: {  	[sflag:s29] =	ssyncadd.s32 $0xFFFFE8E0  }
0x28: {  	v2 =	vld.idx.msk [tilespmem:v1+s3+$0x0], $0xffff  }
0x29: {  	v3 =	vld.idx.msk [tilespmem:v1+s7+$0x0], $0xffff;
	_ =	sdelay $0x1  }
0x2a: {  	v4 =	vld.idx.msk [tilespmem:v1+s8+$0x0], $0xffff;
	_ =	sdelay $0x2  }
0x2b: {  	v1 =	vmul.f32 v2, v2;
	v2 =	vmul.f32 v3, v3  }
0x2c: {  	s30 =	simm.s32 $0x1  }
0x2d: {  	v1 =	vsub.f32 v1, v2;
	v2 =	vadd.s32 s30, v0;
	_ =	sdelay $0x1  }
0x2e: {  	s9 =	simm.s32 $0x4980;
	v3 =	vand.u32 $0x7FFFFFFF, v1  }
0x2f: {  	s10 =	simm.s32 $0x4A80;
	v1 =	vimm.f32 $1.000000000e+00;
	[tilespmem:v4+s9+$0x0] =	vst.idx.add.f32.msk $0xffff, v3  }
0x30: {  	[tilespmem:v4+s10+$0x0] =	vst.idx.add.f32.msk $0xffff, v1  }
0x31: {  	v3 =	vld.idx.msk [tilespmem:v2+s3+$0x0], $0xffff  }
0x32: {  	v4 =	vld.idx.msk [tilespmem:v2+s7+$0x0], $0xffff;
	_ =	sdelay $0x1  }
0x33: {  	v2 =	vld.idx.msk [tilespmem:v2+s8+$0x0], $0xffff;
	_ =	sdelay $0x2  }
0x34: {  	v3 =	vmul.f32 v3, v3;
	v4 =	vmul.f32 v4, v4  }
0x35: {  	s11 =	simm.s32 $0x2  }
0x36: {  	v3 =	vsub.f32 v3, v4;
	v4 =	vadd.s32 s11, v0;
	_ =	sdelay $0x1  }
0x37: {  	v3 =	vand.u32 $0x7FFFFFFF, v3  }
0x38: {  	[tilespmem:v2+s9+$0x0] =	vst.idx.add.f32.msk $0xffff, v3  }
0x39: {  	[tilespmem:v2+s10+$0x0] =	vst.idx.add.f32.msk $0xffff, v1  }
0x3a: {  	v2 =	vld.idx.msk [tilespmem:v4+s3+$0x0], $0xffff  }
0x3b: {  	v3 =	vld.idx.msk [tilespmem:v4+s7+$0x0], $0xffff;
	_ =	sdelay $0x1  }
0x3c: {  	v4 =	vld.idx.msk [tilespmem:v4+s8+$0x0], $0xffff;
	_ =	sdelay $0x2  }
0x3d: {  	v2 =	vmul.f32 v2, v2;
	v3 =	vmul.f32 v3, v3  }
0x3e: {  	s31 =	simm.s32 $0x3  }
0x3f: {  	v2 =	vsub.f32 v2, v3;
	v3 =	vadd.s32 s31, v0;
	_ =	sdelay $0x1  }
0x40: {  	v2 =	vand.u32 $0x7FFFFFFF, v2  }
0x41: {  	[tilespmem:v4+s9+$0x0] =	vst.idx.add.f32.msk $0xffff, v2  }
0x42: {  	[tilespmem:v4+s10+$0x0] =	vst.idx.add.f32.msk $0xffff, v1  }
0x43: {  	v4 =	vld.idx.msk [tilespmem:v3+s3+$0x0], $0xffff  }
0x44: {  	v5 =	vld.idx.msk [tilespmem:v3+s7+$0x0], $0xffff;
	_ =	sdelay $0x1  }
0x45: {  	v2 =	vld.idx.msk [tilespmem:v3+s8+$0x0], $0xffff;
	_ =	sdelay $0x2  }
0x46: {  	s12 =	simm.s32 $0x8;
	s11 =	simm.s32 $0x4;
	v3 =	vmul.f32 v4, v4;
	v4 =	vmul.f32 v5, v5  }
.LBB2_5:
0x47: {  	p0 =	slt.u32 s12, $0x16C;
	v5 =	vadd.s32 s11, v0;
	s13 =	smov.u32 s12;
	s12 =	sadd.s32 $0x4, s12  }
0x48: {  	v3 =	vsub.f32 v3, v4;
	_ =	sdelay $0x1  }
0x49: {  	v3 =	vand.u32 $0x7FFFFFFF, v3  }
0x4a: {  	[tilespmem:v2+s9+$0x0] =	vst.idx.add.f32.msk $0xffff, v3  }
0x4b: {  	[tilespmem:v2+s10+$0x0] =	vst.idx.add.f32.msk $0xffff, v1  }
0x4c: {  	v2 =	vld.idx.msk [tilespmem:v5+s3+$0x0], $0xffff  }
0x4d: {  	v3 =	vld.idx.msk [tilespmem:v5+s7+$0x0], $0xffff;
	_ =	sdelay $0x2  }
0x4e: {  	v4 =	vld.idx.msk [tilespmem:v5+s8+$0x0], $0xffff;
	_ =	sdelay $0x2  }
0x4f: {  	v2 =	vmul.f32 v2, v2;
	v3 =	vmul.f32 v3, v3  }
0x50: {  	s14 =	sadd.s32 $0x1, s11  }
0x51: {  	v2 =	vsub.f32 v2, v3;
	v3 =	vadd.s32 s14, v0;
	_ =	sdelay $0x1  }
0x52: {  	v2 =	vand.u32 $0x7FFFFFFF, v2  }
0x53: {  	[tilespmem:v4+s9+$0x0] =	vst.idx.add.f32.msk $0xffff, v2  }
0x54: {  	[tilespmem:v4+s10+$0x0] =	vst.idx.add.f32.msk $0xffff, v1  }
0x55: {  	v2 =	vld.idx.msk [tilespmem:v3+s3+$0x0], $0xffff  }
0x56: {  	v4 =	vld.idx.msk [tilespmem:v3+s7+$0x0], $0xffff;
	_ =	sdelay $0x2  }
0x57: {  	v3 =	vld.idx.msk [tilespmem:v3+s8+$0x0], $0xffff;
	_ =	sdelay $0x2  }
0x58: {  	v2 =	vmul.f32 v2, v2;
	v4 =	vmul.f32 v4, v4  }
0x59: {  	s14 =	sadd.s32 $0x2, s11  }
0x5a: {  	v2 =	vsub.f32 v2, v4;
	v4 =	vadd.s32 s14, v0;
	_ =	sdelay $0x1  }
0x5b: {  	v2 =	vand.u32 $0x7FFFFFFF, v2  }
0x5c: {  	[tilespmem:v3+s9+$0x0] =	vst.idx.add.f32.msk $0xffff, v2  }
0x5d: {  	[tilespmem:v3+s10+$0x0] =	vst.idx.add.f32.msk $0xffff, v1  }
0x5e: {  	v2 =	vld.idx.msk [tilespmem:v4+s3+$0x0], $0xffff  }
0x5f: {  	v3 =	vld.idx.msk [tilespmem:v4+s7+$0x0], $0xffff;
	_ =	sdelay $0x2  }
0x60: {  	v4 =	vld.idx.msk [tilespmem:v4+s8+$0x0], $0xffff;
	_ =	sdelay $0x1  }
0x61: {  	v2 =	vmul.f32 v2, v2  }
0x62: {  	v3 =	vmul.f32 v3, v3  }
0x63: {  	s14 =	sadd.s32 $0x3, s11;
	s11 =	smov.u32 s13  }
0x64: {  	v2 =	vsub.f32 v2, v3;
	v3 =	vadd.s32 s14, v0;
	_ =	sdelay $0x1  }
0x65: {  	v2 =	vand.u32 $0x7FFFFFFF, v2  }
0x66: {  	[tilespmem:v4+s9+$0x0] =	vst.idx.add.f32.msk $0xffff, v2  }
0x67: {  	[tilespmem:v4+s10+$0x0] =	vst.idx.add.f32.msk $0xffff, v1  }
0x68: {  	v4 =	vld.idx.msk [tilespmem:v3+s3+$0x0], $0xffff  }
0x69: {  	v5 =	vld.idx.msk [tilespmem:v3+s7+$0x0], $0xffff  }
0x6a: {  	v2 =	vld.idx.msk [tilespmem:v3+s8+$0x0], $0xffff  }
.Ltmp1:
0x6b: {  	(pc) =	sbr.rel @p0 .LBB2_5-.Ltmp1, $3  }
0x6c: {  	_ =	sdelay $0x1  }
0x6d: {  	v3 =	vmul.f32 v4, v4  }
0x6e: {  	v4 =	vmul.f32 v5, v5  }
0x6f: {  	_ = 	snop  }
0x70: {  	v5 =	vadd.s32 s11, v0;
	v3 =	vsub.f32 v3, v4;
	_ =	sdelay $0x1  }
0x71: {  	v3 =	vand.u32 $0x7FFFFFFF, v3  }
0x72: {  	[tilespmem:v2+s9+$0x0] =	vst.idx.add.f32.msk $0xffff, v3  }
0x73: {  	[tilespmem:v2+s10+$0x0] =	vst.idx.add.f32.msk $0xffff, v1  }
0x74: {  	v2 =	vld.idx.msk [tilespmem:v5+s3+$0x0], $0xffff  }
0x75: {  	v3 =	vld.idx.msk [tilespmem:v5+s7+$0x0], $0xffff;
	_ =	sdelay $0x1  }
0x76: {  	v18 =	vld.idx.msk [tilespmem:v5+s8+$0x0], $0xffff;
	_ =	sdelay $0x2  }
0x77: {  	v2 =	vmul.f32 v2, v2;
	v3 =	vmul.f32 v3, v3  }
0x78: {  	s12 =	sadd.s32 $0x1, s11  }
0x79: {  	v19 =	vadd.s32 s12, v0;
	v2 =	vsub.f32 v2, v3;
	_ =	sdelay $0x1  }
0x7a: {  	v2 =	vand.u32 $0x7FFFFFFF, v2  }
0x7b: {  	[tilespmem:v18+s9+$0x0] =	vst.idx.add.f32.msk $0xffff, v2  }
0x7c: {  	[tilespmem:v18+s10+$0x0] =	vst.idx.add.f32.msk $0xffff, v1  }
0x7d: {  	v2 =	vld.idx.msk [tilespmem:v19+s3+$0x0], $0xffff  }
0x7e: {  	v4 =	vld.idx.msk [tilespmem:v19+s7+$0x0], $0xffff;
	_ =	sdelay $0x1  }
0x7f: {  	v3 =	vld.idx.msk [tilespmem:v19+s8+$0x0], $0xffff;
	_ =	sdelay $0x2  }
0x80: {  	v2 =	vmul.f32 v2, v2;
	v4 =	vmul.f32 v4, v4  }
0x81: {  	s20 =	sadd.s32 $0x2, s11  }
0x82: {  	v20 =	vadd.s32 s20, v0;
	v2 =	vsub.f32 v2, v4;
	_ =	sdelay $0x1  }
0x83: {  	v2 =	vand.u32 $0x7FFFFFFF, v2  }
0x84: {  	[tilespmem:v3+s9+$0x0] =	vst.idx.add.f32.msk $0xffff, v2  }
0x85: {  	[tilespmem:v3+s10+$0x0] =	vst.idx.add.f32.msk $0xffff, v1  }
0x86: {  	v2 =	vld.idx.msk [tilespmem:v20+s3+$0x0], $0xffff  }
0x87: {  	v3 =	vld.idx.msk [tilespmem:v20+s7+$0x0], $0xffff;
	_ =	sdelay $0x1  }
0x88: {  	v4 =	vld.idx.msk [tilespmem:v20+s8+$0x0], $0xffff;
	_ =	sdelay $0x2  }
0x89: {  	v2 =	vmul.f32 v2, v2;
	v3 =	vmul.f32 v3, v3  }
0x8a: {  	s21 =	sadd.s32 $0x3, s11  }
0x8b: {  	v21 =	vadd.s32 s21, v0;
	v2 =	vsub.f32 v2, v3;
	_ =	sdelay $0x1  }
0x8c: {  	v2 =	vand.u32 $0x7FFFFFFF, v2  }
0x8d: {  	[tilespmem:v4+s9+$0x0] =	vst.idx.add.f32.msk $0xffff, v2  }
0x8e: {  	[tilespmem:v4+s10+$0x0] =	vst.idx.add.f32.msk $0xffff, v1  }
0x8f: {  	v2 =	vld.idx.msk [tilespmem:v21+s3+$0x0], $0xffff  }
0x90: {  	v22 =	vld.idx.msk [tilespmem:v21+s7+$0x0], $0xffff;
	_ =	sdelay $0x1  }
0x91: {  	v0 =	vld.idx.msk [tilespmem:v21+s8+$0x0], $0xffff;
	_ =	sdelay $0x1  }
0x92: {  	v23 =	vlaneseq.u32  }
0x93: {  	v4 =	vmul.u32 $0x172, v23;
	v2 =	vmul.f32 v2, v2;
	v3 =	vmul.f32 v22, v22;
	_ =	sdelay $0x1  }
0x94: {  	v24 =	vadd.s32 $0x170, v4;
	v2 =	vsub.f32 v2, v3;
	_ =	sdelay $0x1  }
0x95: {  	v2 =	vand.u32 $0x7FFFFFFF, v2  }
0x96: {  	[tilespmem:v0+s9+$0x0] =	vst.idx.add.f32.msk $0xffff, v2  }
0x97: {  	s22 =	simm.s32 $0x0;
	[tilespmem:v0+s10+$0x0] =	vst.idx.add.f32.msk $0xffff, v1  }
0x98: {  	s23 =	simm.s32 $0x1880;
	v0 =	vld.idx.msk [tilespmem:v24+s22+$0x0], $0xffff  }
0x99: {  	v1 =	vld.idx.msk [tilespmem:v24+s23+$0x0], $0xffff  }
0x9a: {  	s24 =	simm.s32 $0x3100  }
0x9b: {  	v2 =	vld.idx.msk [tilespmem:v24+s24+$0x0], $0xffff;
	_ =	sdelay $0x2  }
0x9c: {  	v0 =	vmul.f32 v0, v0;
	v1 =	vmul.f32 v1, v1;
	_ =	sdelay $0x1  }
0x9d: {  	v25 =	vadd.s32 $0x171, v4;
	v0 =	vsub.f32 v0, v1;
	_ =	sdelay $0x1  }
0x9e: {  	s25 =	simm.s32 $0x4980;
	v0 =	vand.u32 $0x7FFFFFFF, v0  }
0x9f: {  	v26 =	vimm.f32 $1.000000000e+00;
	s26 =	simm.s32 $0x4A80;
	[tilespmem:v2+s25+$0x0] =	vst.idx.add.f32.msk $0xffff, v0  }
0xa0: {  	[tilespmem:v2+s26+$0x0] =	vst.idx.add.f32.msk $0xffff, v26  }
0xa1: {  	v2 =	vld.idx.msk [tilespmem:v25+s22+$0x0], $0xffff  }
0xa2: {  	v27 =	vld.idx.msk [tilespmem:v25+s23+$0x0], $0xffff;
	_ =	sdelay $0x1  }
0xa3: {  	v1 =	vld.idx.msk [tilespmem:v25+s24+$0x0], $0xffff;
	_ =	sdelay $0x2  }
0xa4: {  	v2 =	vmul.f32 v2, v2;
	v3 =	vmul.f32 v27, v27;
	_ =	sdelay $0x1  }
0xa5: {  	v2 =	vsub.f32 v2, v3;
	_ =	sdelay $0x1  }
0xa6: {  	v2 =	vand.u32 $0x7FFFFFFF, v2  }
0xa7: {  	[tilespmem:v1+s25+$0x0] =	vst.idx.add.f32.msk $0xffff, v2  }
0xa8: {  	s28 =	simm.s32 $0x4;
	[tilespmem:v1+s26+$0x0] =	vst.idx.add.f32.msk $0xffff, v26  }
0xa9: {  	[spmem:s4] =	stream.linear.scatter [tilespmem:s25], [sflag:$0x4], $0x90, $0x38;
	[tilespmem:$0x5F20] =	vst v63  }
0xaa: {  	_ =	swait.ge [sflag:s28], $0x90  }
0xab: {  	[sflag:s28] =	ssyncset.done $0x0  }
0xac: {  	[sflag:s28] =	ssyncadd.s32 $0xFFFFFF70  }
0xad: {  	[spmem:s5] =	stream.linear.scatter [tilespmem:s26], [sflag:$0x4], $0x90, $0x38;
	[tilespmem:$0x5F20] =	vst v63  }
0xae: {  	_ =	swait.ge [sflag:s28], $0x90  }
0xaf: {  	[sflag:s28] =	ssyncset.done $0x0  }
0xb0: {  	[sflag:s28] =	ssyncadd.s32 $0xFFFFFF70  }
0xb1: {  	s29 =	simm.s32 $0x4B80;
	[bflag:$0x0] =	sbarrier.arrive $0xFFFF  }
0xb2: {  	[tilespmem:s29], [sflag:$0x4] =	stream.linear.gather [spmem:s6], $0x1200, $0x38;
	[tilespmem:$0x5F20] =	vst v63  }
0xb3: {  	_ =	swait.ge [sflag:s28], $0x1200  }
0xb4: {  	[sflag:s28] =	ssyncset.done $0x0  }
0xb5: {  	[sflag:s28] =	ssyncadd.s32 $0xFFFFEE00  }
0xb6: {  	v12 =	vld [tilespmem:$0x4B80]  }
0xb7: {  	v11 =	vld [tilespmem:$0x4C10]  }
0xb8: {  	v14 =	vld [tilespmem:$0x4CA0]  }
0xb9: {  	v13 =	vld [tilespmem:$0x4D30]  }
0xba: {  	v18 =	vld [tilespmem:$0x4DC0]  }
0xbb: {  	v17 =	vld [tilespmem:$0x4E50]  }
0xbc: {  	v20 =	vld [tilespmem:$0x4EE0]  }
0xbd: {  	v21 =	vld [tilespmem:$0x4F70]  }
0xbe: {  	v25 =	vld [tilespmem:$0x5000]  }
0xbf: {  	v26 =	vld [tilespmem:$0x5090]  }
0xc0: {  	v31 =	vld [tilespmem:$0x5120]  }
0xc1: {  	v30 =	vld [tilespmem:$0x51B0]  }
0xc2: {  	v36 =	vld [tilespmem:$0x5240]  }
0xc3: {  	v38 =	vld [tilespmem:$0x52D0]  }
0xc4: {  	v43 =	vld [tilespmem:$0x5360]  }
0xc5: {  	v44 =	vld [tilespmem:$0x53F0]  }
0xc6: {  	v48 =	vld [tilespmem:$0x5480]  }
0xc7: {  	v49 =	vld [tilespmem:$0x5510]  }
0xc8: {  	v56 =	vld [tilespmem:$0x55A0]  }
0xc9: {  	v57 =	vld [tilespmem:$0x5630]  }
0xca: {  	v28 =	vld [tilespmem:$0x56C0]  }
0xcb: {  	v29 =	vld [tilespmem:$0x5750]  }
0xcc: {  	v32 =	vld [tilespmem:$0x57E0]  }
0xcd: {  	v33 =	vld [tilespmem:$0x5870]  }
0xce: {  	v34 =	vld [tilespmem:$0x5900]  }
0xcf: {  	v35 =	vld [tilespmem:$0x5990]  }
0xd0: {  	v37 =	vld [tilespmem:$0x5A20]  }
0xd1: {  	v39 =	vld [tilespmem:$0x5AB0]  }
0xd2: {  	v40 =	vld [tilespmem:$0x5B40]  }
0xd3: {  	v41 =	vld [tilespmem:$0x5BD0]  }
0xd4: {  	v42 =	vld [tilespmem:$0x5C60]  }
0xd5: {  	v45 =	vld [tilespmem:$0x5CF0]  }
0xd6: {  	v0 =	vld [tilespmem:$0x4B90]  }
0xd7: {  	v2 =	vld [tilespmem:$0x4C20]  }
0xd8: {  	v1 =	vld [tilespmem:$0x4CB0]  }
0xd9: {  	v3 =	vld [tilespmem:$0x4D40]  }
0xda: {  	v4 =	vld [tilespmem:$0x4DD0]  }
0xdb: {  	v5 =	vld [tilespmem:$0x4E60]  }
0xdc: {  	v6 =	vld [tilespmem:$0x4EF0]  }
0xdd: {  	v8 =	vld [tilespmem:$0x4F80]  }
0xde: {  	v7 =	vld [tilespmem:$0x5010]  }
0xdf: {  	v10 =	vld [tilespmem:$0x50A0]  }
0xe0: {  	v9 =	vld [tilespmem:$0x5130]  }
0xe1: {  	v16 =	vld [tilespmem:$0x51C0]  }
0xe2: {  	v15 =	vld [tilespmem:$0x5250]  }
0xe3: {  	v22 =	vld [tilespmem:$0x52E0]  }
0xe4: {  	v19 =	vld [tilespmem:$0x5370]  }
0xe5: {  	v27 =	vld [tilespmem:$0x5400]  }
0xe6: {  	v23 =	vld [tilespmem:$0x5490]  }
0xe7: {  	v50 =	vld [tilespmem:$0x5880]  }
0xe8: {  	v51 =	vld [tilespmem:$0x5910]  }
0xe9: {  	v58 =	vld [tilespmem:$0x59A0]  }
0xea: {  	v59 =	vld [tilespmem:$0x5A30]  }
0xeb: {  	v24 =	vld [tilespmem:$0x5AC0]  }
0xec: {  	v46 =	vld [tilespmem:$0x5B50]  }
0xed: {  	v47 =	vld [tilespmem:$0x5BE0]  }
0xee: {  	v52 =	vld [tilespmem:$0x5C70]  }
0xef: {  	v53 =	vld [tilespmem:$0x5D00]  }
0xf0: {  	v60 =	vld [tilespmem:$0x4CC0]  }
0xf1: {  	v61 =	vld [tilespmem:$0x4D50]  }
0xf2: {  	v54 =	vld [tilespmem:$0x4DE0]  }
0xf3: {  	v55 =	vld [tilespmem:$0x4E70]  }
0xf4: {  	v62 =	vld [tilespmem:$0x4F00]  }
0xf5: {  	v63 =	vld [tilespmem:$0x4F90]  }
0xf6: {  	[tilespmem:$0x1FA10] =	vst v32;
	v32 =	vld [tilespmem:$0x5520]  }
0xf7: {  	[tilespmem:$0x1FA00] =	vst v29;
	v29 =	vld [tilespmem:$0x55B0]  }
0xf8: {  	[tilespmem:$0x1FA60] =	vst v39;
	v39 =	vld [tilespmem:$0x5640]  }
0xf9: {  	[tilespmem:$0x1FA30] =	vst v34;
	v34 =	vld [tilespmem:$0x56D0]  }
0xfa: {  	[tilespmem:$0x1FA90] =	vst v42;
	v42 =	vld [tilespmem:$0x5760]  }
0xfb: {  	[tilespmem:$0x1FAA0] =	vst v45;
	v45 =	vld [tilespmem:$0x57F0]  }
0xfc: {  	[tilespmem:$0x1FAE0] =	vst v52;
	v52 =	vld [tilespmem:$0x4BA0]  }
0xfd: {  	[tilespmem:$0x1FB10] =	vst v53;
	v53 =	vld [tilespmem:$0x4C30]  }
0xfe: {  	[tilespmem:$0x1F9F0] =	vst v28;
	v28 =	vld [tilespmem:$0x5020]  }
0xff: {  	[tilespmem:$0x1FA20] =	vst v33;
	v33 =	vld [tilespmem:$0x50B0]  }
0x100: {  	[tilespmem:$0x1FA40] =	vst v35;
	v35 =	vld [tilespmem:$0x5140]  }
0x101: {  	[tilespmem:$0x1FA50] =	vst v37;
	v37 =	vld [tilespmem:$0x51D0]  }
0x102: {  	[tilespmem:$0x1FA70] =	vst v40;
	v40 =	vld [tilespmem:$0x5260]  }
0x103: {  	[tilespmem:$0x1FA80] =	vst v41;
	v41 =	vld [tilespmem:$0x52F0]  }
0x104: {  	[tilespmem:$0x1FAC0] =	vst v46;
	v46 =	vld [tilespmem:$0x5380]  }
0x105: {  	[tilespmem:$0x1FAD0] =	vst v47;
	v47 =	vld [tilespmem:$0x5410]  }
0x106: {  	[tilespmem:$0x1FAF0] =	vst v54;
	v54 =	vld [tilespmem:$0x54A0]  }
0x107: {  	[tilespmem:$0x1FB00] =	vst v55;
	v55 =	vld [tilespmem:$0x5530]  }
0x108: {  	[tilespmem:$0x1FB20] =	vst v62;
	v62 =	vld [tilespmem:$0x55C0]  }
0x109: {  	[tilespmem:$0x1FB30] =	vst v63;
	v63 =	vld [tilespmem:$0x5650];
	v11 =	vadd.f32 $0.0e+00, v11  }
0x10a: {  	[tilespmem:$0x1FAB0] =	vst v24;
	v24 =	vld [tilespmem:$0x4BB0];
	v12 =	vadd.f32 $0.0e+00, v12  }
0x10b: {  	v0 =	vadd.f32 $0.0e+00, v0;
	v11 =	vadd.f32 v13, v11;
	v13 =	vld [tilespmem:$0x51F0]  }
0x10c: {  	v12 =	vadd.f32 v14, v12;
	v14 =	vld [tilespmem:$0x5820]  }
0x10d: {  	v0 =	vadd.f32 v1, v0;
	v11 =	vadd.f32 v17, v11;
	v17 =	vld [tilespmem:$0x5280]  }
0x10e: {  	v12 =	vadd.f32 v18, v12;
	v18 =	vld [tilespmem:$0x5310]  }
0x10f: {  	v0 =	vadd.f32 v4, v0;
	v4 =	vld [tilespmem:$0x4C60]  }
0x110: {  	[tilespmem:$0x1FB40] =	vst v28;
	v28 =	vld [tilespmem:$0x56E0]  }
0x111: {  	[tilespmem:$0x1FB50] =	vst v33;
	v33 =	vld [tilespmem:$0x5770]  }
0x112: {  	[tilespmem:$0x1FB60] =	vst v35;
	v35 =	vld [tilespmem:$0x5800]  }
0x113: {  	[tilespmem:$0x1FB70] =	vst v37;
	v37 =	vld [tilespmem:$0x5890]  }
0x114: {  	[tilespmem:$0x1FB80] =	vst v40;
	v40 =	vld [tilespmem:$0x5920]  }
0x115: {  	[tilespmem:$0x1FB90] =	vst v41;
	v41 =	vld [tilespmem:$0x59B0]  }
0x116: {  	[tilespmem:$0x1FBA0] =	vst v46;
	v46 =	vld [tilespmem:$0x5A40]  }
0x117: {  	[tilespmem:$0x1FBB0] =	vst v47;
	v47 =	vld [tilespmem:$0x5AD0]  }
0x118: {  	[tilespmem:$0x1FBC0] =	vst v54;
	v54 =	vld [tilespmem:$0x5B60]  }
0x119: {  	[tilespmem:$0x1FBD0] =	vst v55;
	v55 =	vld [tilespmem:$0x5BF0]  }
0x11a: {  	[tilespmem:$0x1FBF0] =	vst v62;
	v62 =	vld [tilespmem:$0x5C80]  }
0x11b: {  	[tilespmem:$0x1FC00] =	vst v63;
	v63 =	vld [tilespmem:$0x5D10]  }
0x11c: {  	v12 =	vadd.f32 v20, v12;
	v20 =	vld [tilespmem:$0x5430]  }
0x11d: {  	v11 =	vadd.f32 v21, v11;
	[tilespmem:$0x1FEA0] =	vst v13;
	v13 =	vld [tilespmem:$0x5790]  }
0x11e: {  	v21 =	vadd.f32 v25, v12;
	v25 =	vld [tilespmem:$0x54C0]  }
0x11f: {  	v11 =	vadd.f32 v26, v11;
	v26 =	vld [tilespmem:$0x5550]  }
0x120: {  	v12 =	vld [tilespmem:$0x5700]  }
0x121: {  	[tilespmem:$0x1FEB0] =	vst v17;
	v17 =	vld [tilespmem:$0x53A0]  }
0x122: {  	[tilespmem:$0x1FC40] =	vst v33;
	v33 =	vld [tilespmem:$0x4C40]  }
0x123: {  	[tilespmem:$0x1FC30] =	vst v28;
	v28 =	vld [tilespmem:$0x4CD0]  }
0x124: {  	[tilespmem:$0x1FC80] =	vst v37;
	v37 =	vld [tilespmem:$0x4D60]  }
0x125: {  	[tilespmem:$0x1FC70] =	vst v35;
	v35 =	vld [tilespmem:$0x4DF0]  }
0x126: {  	[tilespmem:$0x1FCB0] =	vst v40;
	v40 =	vld [tilespmem:$0x4E80]  }
0x127: {  	[tilespmem:$0x1FCC0] =	vst v41;
	v41 =	vld [tilespmem:$0x4F10]  }
0x128: {  	[tilespmem:$0x1FCF0] =	vst v46;
	v46 =	vld [tilespmem:$0x4FA0]  }
0x129: {  	[tilespmem:$0x1FD00] =	vst v47;
	v47 =	vld [tilespmem:$0x5030]  }
0x12a: {  	[tilespmem:$0x1FD30] =	vst v54;
	v54 =	vld [tilespmem:$0x50C0]  }
0x12b: {  	[tilespmem:$0x1FD40] =	vst v55;
	v55 =	vld [tilespmem:$0x5150]  }
0x12c: {  	[tilespmem:$0x1FD70] =	vst v62;
	v62 =	vld [tilespmem:$0x51E0]  }
0x12d: {  	v0 =	vadd.f32 v6, v0;
	[tilespmem:$0x1FD80] =	vst v63;
	v63 =	vld [tilespmem:$0x5270]  }
0x12e: {  	[tilespmem:$0x1FEC0] =	vst v18;
	v18 =	vadd.f32 $0.0e+00, v2;
	v2 =	vadd.f32 v31, v21;
	v31 =	vld [tilespmem:$0x55E0]  }
0x12f: {  	v0 =	vadd.f32 v7, v0;
	v30 =	vadd.f32 v30, v11;
	v11 =	vld [tilespmem:$0x5670]  }
0x130: {  	v21 =	vld [tilespmem:$0x5A60]  }
0x131: {  	v0 =	vadd.f32 v9, v0;
	v9 =	vld [tilespmem:$0x1FA70]  }
0x132: {  	v1 =	vadd.f32 v3, v18;
	v18 =	vld [tilespmem:$0x5940]  }
0x133: {  	[tilespmem:$0x1FEE0] =	vst v20;
	v20 =	vld [tilespmem:$0x59D0]  }
0x134: {  	[tilespmem:$0x1FF50] =	vst v14;
	v14 =	vadd.f32 $0.0e+00, v53;
	v53 =	vld [tilespmem:$0x1FC40]  }
0x135: {  	v3 =	vadd.f32 v38, v30;
	v30 =	vld [tilespmem:$0x1FA00]  }
0x136: {  	v2 =	vadd.f32 v36, v2;
	v36 =	vld [tilespmem:$0x5C10]  }
0x137: {  	v38 =	vld [tilespmem:$0x1FA10]  }
0x138: {  	v0 =	vadd.f32 v15, v0;
	v15 =	vld [tilespmem:$0x1FAB0]  }
0x139: {  	[tilespmem:$0x1FF40] =	vst v13;
	v13 =	vadd.f32 $0.0e+00, v52;
	v52 =	vld [tilespmem:$0x1FC30]  }
0x13a: {  	[tilespmem:$0x1FEF0] =	vst v25;
	v25 =	vld [tilespmem:$0x5AF0]  }
0x13b: {  	[tilespmem:$0x1FF00] =	vst v26;
	v26 =	vld [tilespmem:$0x1F9F0]  }
0x13c: {  	v1 =	vadd.f32 v5, v1;
	v5 =	vld [tilespmem:$0x4D80]  }
0x13d: {  	[tilespmem:$0x1FF30] =	vst v12;
	v12 =	vld [tilespmem:$0x1FAA0]  }
0x13e: {  	[tilespmem:$0x1FED0] =	vst v17;
	v17 =	vld [tilespmem:$0x58B0]  }
0x13f: {  	v2 =	vadd.f32 v43, v2;
	v43 =	vld [tilespmem:$0x1FA20]  }
0x140: {  	v3 =	vadd.f32 v44, v3;
	v44 =	vld [tilespmem:$0x5CA0]  }
0x141: {  	v0 =	vadd.f32 v19, v0;
	v19 =	vld [tilespmem:$0x1FAF0]  }
0x142: {  	[tilespmem:$0x1FBE0] =	vst v62;
	v62 =	vld [tilespmem:$0x5300]  }
0x143: {  	[tilespmem:$0x1FF10] =	vst v31;
	v31 =	vld [tilespmem:$0x5B80]  }
0x144: {  	v1 =	vadd.f32 v8, v1;
	v8 =	vld [tilespmem:$0x1FA60]  }
0x145: {  	[tilespmem:$0x1FF20] =	vst v11;
	v11 =	vld [tilespmem:$0x1FA90]  }
0x146: {  	[tilespmem:$0x1FF90] =	vst v21;
	v21 =	vld [tilespmem:$0x1FB10]  }
0x147: {  	v2 =	vadd.f32 v48, v2;
	v48 =	vld [tilespmem:$0x5D30]  }
0x148: {  	v3 =	vadd.f32 v49, v3;
	v49 =	vld [tilespmem:$0x1FA30]  }
0x149: {  	v0 =	vadd.f32 v23, v0;
	v23 =	vld [tilespmem:$0x4E10]  }
0x14a: {  	[tilespmem:$0x1FF70] =	vst v18;
	v18 =	vld [tilespmem:$0x1FAE0]  }
0x14b: {  	[tilespmem:$0x1FF80] =	vst v20;
	v20 =	vld [tilespmem:$0x1FB00]  }
0x14c: {  	[tilespmem:$0x1FFC0] =	vst v36;
	v36 =	vld [tilespmem:$0x4CF0]  }
0x14d: {  	v1 =	vadd.f32 v10, v1;
	v10 =	vld [tilespmem:$0x1FA80]  }
0x14e: {  	v2 =	vadd.f32 v56, v2;
	v56 =	vld [tilespmem:$0x1FA40]  }
0x14f: {  	v3 =	vadd.f32 v57, v3;
	v57 =	vld [tilespmem:$0x1FA50]  }
0x150: {  	[tilespmem:$0x1FFA0] =	vst v25;
	v25 =	vld [tilespmem:$0x4F30]  }
0x151: {  	[tilespmem:$0x1FC10] =	vst v62;
	v62 =	vld [tilespmem:$0x5390]  }
0x152: {  	v0 =	vadd.f32 v29, v0;
	v29 =	vld [tilespmem:$0x1FB20]  }
0x153: {  	v1 =	vadd.f32 v16, v1;
	v16 =	vld [tilespmem:$0x1FAC0]  }
0x154: {  	[tilespmem:$0x1FF60] =	vst v17;
	v17 =	vld [tilespmem:$0x1FAD0]  }
0x155: {  	[tilespmem:$0x1FFD0] =	vst v44;
	v44 =	vld [tilespmem:$0x1FBB0]  }
0x156: {  	[tilespmem:$0x1FC20] =	vst v62;
	v62 =	vld [tilespmem:$0x5420]  }
0x157: {  	v2 =	vadd.f32 v26, v2;
	v26 =	vld [tilespmem:$0x5050]  }
0x158: {  	v3 =	vadd.f32 v30, v3;
	v30 =	vld [tilespmem:$0x5290]  }
0x159: {  	[tilespmem:$0x1FFB0] =	vst v31;
	v31 =	vld [tilespmem:$0x1FB30]  }
0x15a: {  	v0 =	vadd.f32 v34, v0;
	v34 =	vld [tilespmem:$0x1FB50]  }
0x15b: {  	[tilespmem:$0x1FC50] =	vst v62;
	v62 =	vld [tilespmem:$0x54B0]  }
0x15c: {  	v1 =	vadd.f32 v22, v1;
	v22 =	vld [tilespmem:$0x4BD0]  }
0x15d: {  	[tilespmem:$0x1FFE0] =	vst v48;
	v48 =	vld [tilespmem:$0x1FBF0]  }
0x15e: {  	v2 =	vadd.f32 v38, v2;
	v38 =	vld [tilespmem:$0x1FB60]  }
0x15f: {  	v3 =	vadd.f32 v43, v3;
	v43 =	vld [tilespmem:$0x1FBA0]  }
0x160: {  	[tilespmem:$0x1FC60] =	vst v62;
	v62 =	vld [tilespmem:$0x5540]  }
0x161: {  	v0 =	vadd.f32 v45, v0;
	v45 =	vld [tilespmem:$0x1FBC0]  }
0x162: {  	v1 =	vadd.f32 v27, v1;
	v27 =	vld [tilespmem:$0x5170]  }
0x163: {  	v2 =	vadd.f32 v49, v2;
	v3 =	vadd.f32 v56, v3;
	v49 =	vld [tilespmem:$0x1FC00]  }
0x164: {  	v1 =	vadd.f32 v32, v1;
	v32 =	vadd.f32 $0.0e+00, v33;
	v33 =	vld [tilespmem:$0x1FB40]  }
0x165: {  	[tilespmem:$0x1FC90] =	vst v62;
	v62 =	vld [tilespmem:$0x55D0]  }
0x166: {  	v0 =	vadd.f32 v51, v0;
	v3 =	vadd.f32 v8, v3;
	v8 =	vld [tilespmem:$0x4EA0]  }
0x167: {  	v51 =	vld [tilespmem:$0x1FC20]  }
0x168: {  	v0 =	vadd.f32 v59, v0;
	v59 =	vld [tilespmem:$0x1FC80]  }
0x169: {  	v1 =	vadd.f32 v39, v1;
	v39 =	vld [tilespmem:$0x1FB70]  }
0x16a: {  	[tilespmem:$0x1FCA0] =	vst v62;
	v62 =	vld [tilespmem:$0x5660]  }
0x16b: {  	v2 =	vadd.f32 v57, v2;
	v6 =	vadd.f32 v37, v32;
	v32 =	vld [tilespmem:$0x5830]  }
0x16c: {  	v37 =	vld [tilespmem:$0x4BE0]  }
0x16d: {  	v2 =	vadd.f32 v9, v2;
	v9 =	vld [tilespmem:$0x4FC0]  }
0x16e: {  	v3 =	vadd.f32 v10, v3;
	v10 =	vld [tilespmem:$0x50E0]  }
0x16f: {  	v22 =	vadd.f32 $0.0e+00, v22;
	[tilespmem:$0x1FCD0] =	vst v62;
	v62 =	vld [tilespmem:$0x56F0]  }
0x170: {  	v0 =	vadd.f32 v16, v0;
	v16 =	vld [tilespmem:$0x57A0]  }
0x171: {  	v22 =	vadd.f32 v36, v22;
	v36 =	vld [tilespmem:$0x5450]  }
0x172: {  	v1 =	vadd.f32 v42, v1;
	v42 =	vld [tilespmem:$0x1FB90]  }
0x173: {  	v6 =	vadd.f32 v40, v6;
	v40 =	vld [tilespmem:$0x1FCC0]  }
0x174: {  	[tilespmem:$0x1FCE0] =	vst v62;
	v62 =	vld [tilespmem:$0x5780]  }
0x175: {  	v57 =	vadd.f32 v11, v2;
	v11 =	vld [tilespmem:$0x5200]  }
0x176: {  	v2 =	vadd.f32 v12, v3;
	v12 =	vld [tilespmem:$0x5320]  }
0x177: {  	v3 =	vadd.f32 v61, v14;
	v14 =	vld [tilespmem:$0x5560]  }
0x178: {  	v56 =	vadd.f32 v18, v0;
	v18 =	vld [tilespmem:$0x59E0]  }
0x179: {  	[tilespmem:$0x1FD10] =	vst v62;
	v62 =	vld [tilespmem:$0x5810]  }
0x17a: {  	v6 =	vadd.f32 v46, v6;
	v46 =	vld [tilespmem:$0x1FBD0]  }
0x17b: {  	v1 =	vadd.f32 v50, v1;
	v50 =	vld [tilespmem:$0x1FC10]  }
0x17c: {  	v4 =	vadd.f32 $0.0e+00, v4;
	[tilespmem:$0x1FFF0] =	vst v2;
	v2 =	vadd.f32 v60, v13;
	v13 =	vld [tilespmem:$0x5440]  }
0x17d: {  	v6 =	vadd.f32 v54, v6;
	v54 =	vld [tilespmem:$0x1FC50]  }
0x17e: {  	v24 =	vadd.f32 $0.0e+00, v24;
	v4 =	vadd.f32 v5, v4;
	[tilespmem:$0x1FD20] =	vst v62;
	v62 =	vld [tilespmem:$0x58A0]  }
0x17f: {  	v1 =	vadd.f32 v58, v1;
	v58 =	vld [tilespmem:$0x1FC70];
	v0 =	vadd.f32 v19, v2  }
0x180: {  	v2 =	vadd.f32 v20, v3;
	v3 =	vadd.f32 v28, v24;
	v24 =	vld [tilespmem:$0x54D0]  }
0x181: {  	v28 =	vld [tilespmem:$0x55F0]  }
0x182: {  	v4 =	vadd.f32 v8, v4;
	v19 =	vld [tilespmem:$0x5B00]  }
0x183: {  	[tilespmem:$0x1FD50] =	vst v62;
	v62 =	vld [tilespmem:$0x5930]  }
0x184: {  	v4 =	vadd.f32 v9, v4;
	v20 =	vld [tilespmem:$0x5C20]  }
0x185: {  	v1 =	vadd.f32 v15, v1;
	v15 =	vld [tilespmem:$0x5680]  }
0x186: {  	v4 =	vadd.f32 v10, v4;
	v10 =	vld [tilespmem:$0x5960]  }
0x187: {  	v2 =	vadd.f32 v31, v2;
	v31 =	vld [tilespmem:$0x53B0]  }
0x188: {  	[tilespmem:$0x1FD60] =	vst v62;
	v62 =	vld [tilespmem:$0x59C0]  }
0x189: {  	v0 =	vadd.f32 v29, v0;
	v29 =	vld [tilespmem:$0x5710]  }
0x18a: {  	v3 =	vadd.f32 v35, v3;
	v35 =	vld [tilespmem:$0x5B90]  }
0x18b: {  	v1 =	vadd.f32 v17, v1;
	v17 =	vld [tilespmem:$0x58C0]  }
0x18c: {  	v4 =	vadd.f32 v11, v4;
	v11 =	vld [tilespmem:$0x59F0]  }
0x18d: {  	[tilespmem:$0x1FD90] =	vst v62;
	v62 =	vld [tilespmem:$0x5A50]  }
0x18e: {  	v3 =	vadd.f32 v41, v3;
	v41 =	vld [tilespmem:$0x1FB80]  }
0x18f: {  	v0 =	vadd.f32 v33, v0;
	v33 =	vld [tilespmem:$0x5950]  }
0x190: {  	v2 =	vadd.f32 v34, v2;
	v34 =	vld [tilespmem:$0x5A70]  }
0x191: {  	v1 =	vadd.f32 v21, v1;
	v21 =	vld [tilespmem:$0x5D40]  }
0x192: {  	[tilespmem:$0x1FDA0] =	vst v62;
	v62 =	vld [tilespmem:$0x5AE0]  }
0x193: {  	v3 =	vadd.f32 v47, v3;
	v47 =	vld [tilespmem:$0x1FBE0]  }
0x194: {  	v0 =	vadd.f32 v38, v0;
	v38 =	vld [tilespmem:$0x4C70]  }
0x195: {  	v2 =	vadd.f32 v39, v2;
	v39 =	vld [tilespmem:$0x4D00]  }
0x196: {  	v4 =	vadd.f32 v12, v4;
	v60 =	vld [tilespmem:$0x1FC90]  }
0x197: {  	[tilespmem:$0x1FDD0] =	vst v62;
	v62 =	vld [tilespmem:$0x5B70]  }
0x198: {  	v13 =	vadd.f32 v13, v4;
	v4 =	vld [tilespmem:$0x5CC0]  }
0x199: {  	v3 =	vadd.f32 v55, v3;
	v55 =	vld [tilespmem:$0x1FC60]  }
0x19a: {  	v13 =	vadd.f32 v14, v13;
	v14 =	vld [tilespmem:$0x5D50]  }
0x19b: {  	v2 =	vadd.f32 v42, v2;
	v3 =	vadd.f32 v63, v3;
	v63 =	vld [tilespmem:$0x1FCB0]  }
0x19c: {  	v0 =	vadd.f32 v41, v0;
	[tilespmem:$0x1FDE0] =	vst v62;
	v62 =	vld [tilespmem:$0x5C00]  }
0x19d: {  	v2 =	vadd.f32 v44, v2;
	v44 =	vld [tilespmem:$0x1FD00]  }
0x19e: {  	v0 =	vadd.f32 v43, v0;
	v43 =	vld [tilespmem:$0x1FCF0]  }
0x19f: {  	v6 =	vadd.f32 v47, v6;
	v47 =	vld [tilespmem:$0x1FD30]  }
0x1a0: {  	v13 =	vadd.f32 v15, v13;
	v15 =	vld [tilespmem:$0x4C80]  }
0x1a1: {  	[tilespmem:$0x1FE10] =	vst v62;
	v62 =	vld [tilespmem:$0x5C90]  }
0x1a2: {  	v61 =	vld [tilespmem:$0x1FCA0]  }
0x1a3: {  	v3 =	vadd.f32 v51, v3;
	v51 =	vld [tilespmem:$0x1FD70];
	v0 =	vadd.f32 v45, v0  }
0x1a4: {  	v2 =	vadd.f32 v46, v2;
	v13 =	vadd.f32 v16, v13;
	v16 =	vld [tilespmem:$0x4DA0]  }
0x1a5: {  	v0 =	vadd.f32 v48, v0;
	v48 =	vld [tilespmem:$0x1FD40]  }
0x1a6: {  	v6 =	vadd.f32 v50, v6;
	v2 =	vadd.f32 v49, v2;
	[tilespmem:$0x1FE20] =	vst v62;
	v62 =	vld [tilespmem:$0x5D20]  }
0x1a7: {  	v13 =	vadd.f32 v17, v13;
	v15 =	vadd.f32 $0.0e+00, v15;
	v41 =	vld [tilespmem:$0x1FCD0]  }
0x1a8: {  	v2 =	vadd.f32 v53, v2;
	v0 =	vadd.f32 v52, v0;
	v52 =	vld [tilespmem:$0x1FD80]  }
0x1a9: {  	v13 =	vadd.f32 v18, v13;
	v15 =	vadd.f32 v16, v15;
	v16 =	vld [tilespmem:$0x5340]  }
0x1aa: {  	v2 =	vadd.f32 v59, v2;
	v7 =	vadd.f32 v58, v0;
	v0 =	vld [tilespmem:$0x5CB0]  }
0x1ab: {  	v6 =	vadd.f32 v54, v6;
	v13 =	vadd.f32 v19, v13;
	[tilespmem:$0x1FE50] =	vst v62;
	v62 =	vld [tilespmem:$0x4BC0]  }
0x1ac: {  	v2 =	vadd.f32 v40, v2;
	v40 =	vld [tilespmem:$0x4D90]  }
0x1ad: {  	v6 =	vadd.f32 v60, v6;
	v13 =	vadd.f32 v20, v13;
	v20 =	vld [tilespmem:$0x5220]  }
0x1ae: {  	v42 =	vld [tilespmem:$0x1FCE0]  }
0x1af: {  	v6 =	vadd.f32 v41, v6;
	v41 =	vld [tilespmem:$0x4E20]  }
0x1b0: {  	v7 =	vadd.f32 v63, v7;
	[tilespmem:$0x1FDB0] =	vst v62;
	v62 =	vld [tilespmem:$0x4C50]  }
0x1b1: {  	v2 =	vadd.f32 v44, v2;
	v44 =	vld [tilespmem:$0x4F40]  }
0x1b2: {  	v7 =	vadd.f32 v43, v7;
	v43 =	vld [tilespmem:$0x4EB0]  }
0x1b3: {  	v2 =	vadd.f32 v48, v2;
	v48 =	vld [tilespmem:$0x50F0]  }
0x1b4: {  	v45 =	vld [tilespmem:$0x1FD10]  }
0x1b5: {  	[tilespmem:$0x1FDC0] =	vst v62;
	v62 =	vld [tilespmem:$0x4CE0]  }
0x1b6: {  	v49 =	vld [tilespmem:$0x1FD50]  }
0x1b7: {  	v3 =	vadd.f32 v55, v3;
	v7 =	vadd.f32 v47, v7;
	v47 =	vld [tilespmem:$0x5060]  }
0x1b8: {  	v46 =	vld [tilespmem:$0x1FD20]  }
0x1b9: {  	v3 =	vadd.f32 v61, v3;
	v6 =	vadd.f32 v45, v6;
	v50 =	vld [tilespmem:$0x1FD60]  }
0x1ba: {  	[tilespmem:$0x1FDF0] =	vst v62;
	v62 =	vld [tilespmem:$0x4D70]  }
0x1bb: {  	v3 =	vadd.f32 v42, v3;
	v42 =	vadd.f32 v49, v6;
	v49 =	vld [tilespmem:$0x5180]  }
0x1bc: {  	v53 =	vld [tilespmem:$0x1FD90]  }
0x1bd: {  	v6 =	vadd.f32 v51, v7;
	v51 =	vld [tilespmem:$0x5210]  }
0x1be: {  	v54 =	vld [tilespmem:$0x1FDA0]  }
0x1bf: {  	[tilespmem:$0x1FE00] =	vst v62;
	v62 =	vld [tilespmem:$0x4E00]  }
0x1c0: {  	v59 =	vld [tilespmem:$0x1FDD0]  }
0x1c1: {  	v7 =	vadd.f32 v53, v42;
	v42 =	vld [tilespmem:$0x4FD0]  }
0x1c2: {  	v2 =	vadd.f32 v52, v2;
	v52 =	vld [tilespmem:$0x1FE10]  }
0x1c3: {  	v60 =	vld [tilespmem:$0x1FDE0]  }
0x1c4: {  	[tilespmem:$0x1FE30] =	vst v62;
	v62 =	vld [tilespmem:$0x4E90]  }
0x1c5: {  	v3 =	vadd.f32 v46, v3;
	v7 =	vadd.f32 v59, v7;
	v53 =	vld [tilespmem:$0x1FE20]  }
0x1c6: {  	v58 =	vld [tilespmem:$0x1FDC0]  }
0x1c7: {  	v3 =	vadd.f32 v50, v3;
	v50 =	vadd.f32 v52, v7;
	v52 =	vld [tilespmem:$0x52A0]  }
0x1c8: {  	v55 =	vld [tilespmem:$0x1FDB0]  }
0x1c9: {  	[tilespmem:$0x1FE40] =	vst v62;
	v62 =	vld [tilespmem:$0x4F20]  }
0x1ca: {  	v61 =	vld [tilespmem:$0x1FDF0]  }
0x1cb: {  	v46 =	vadd.f32 $0.0e+00, v58;
	v58 =	vld [tilespmem:$0x1FE50]  }
0x1cc: {  	v3 =	vadd.f32 v54, v3;
	v63 =	vld [tilespmem:$0x1FE00]  }
0x1cd: {  	v54 =	vld [tilespmem:$0x1FE30]  }
0x1ce: {  	v3 =	vadd.f32 v60, v3;
	v45 =	vadd.f32 $0.0e+00, v55;
	[tilespmem:$0x1FE60] =	vst v62;
	v62 =	vld [tilespmem:$0x4FB0]  }
0x1cf: {  	v55 =	vld [tilespmem:$0x1FE40]  }
0x1d0: {  	v7 =	vadd.f32 v53, v3;
	v53 =	vld [tilespmem:$0x53C0];
	v45 =	vadd.f32 v61, v45  }
0x1d1: {  	v3 =	vadd.f32 v58, v50;
	v50 =	vld [tilespmem:$0x5330]  }
0x1d2: {  	v46 =	vadd.f32 v63, v46;
	v45 =	vadd.f32 v54, v45;
	v54 =	vld [tilespmem:$0x54E0]  }
0x1d3: {  	[tilespmem:$0x1FE70] =	vst v62;
	v62 =	vld [tilespmem:$0x5040]  }
0x1d4: {  	v46 =	vadd.f32 v55, v46;
	v59 =	vld [tilespmem:$0x1FE60];
	v55 =	vadd.f32 v23, v22  }
0x1d5: {  	v23 =	vld [tilespmem:$0x5570]  }
0x1d6: {  	v5 =	vadd.f32 v25, v55;
	v25 =	vld [tilespmem:$0x5690]  }
0x1d7: {  	v55 =	vld [tilespmem:$0x1FEF0]  }
0x1d8: {  	[tilespmem:$0x1FE80] =	vst v62;
	v62 =	vld [tilespmem:$0x50D0]  }
0x1d9: {  	v5 =	vadd.f32 v26, v5;
	v26 =	vld [tilespmem:$0x57B0]  }
0x1da: {  	v60 =	vld [tilespmem:$0x1FE70]  }
0x1db: {  	v61 =	vld [tilespmem:$0x1FE80]  }
0x1dc: {  	v45 =	vadd.f32 v59, v45;
	v59 =	vld [tilespmem:$0x1FEA0]  }
0x1dd: {  	[tilespmem:$0x1FE90] =	vst v62;
	v62 =	vld [tilespmem:$0x5160]  }
0x1de: {  	v63 =	vld [tilespmem:$0x1FE90]  }
0x1df: {  	v46 =	vadd.f32 v60, v46;
	v60 =	vld [tilespmem:$0x1FEB0]  }
0x1e0: {  	v5 =	vadd.f32 v27, v5;
	v27 =	vld [tilespmem:$0x58D0];
	v45 =	vadd.f32 v61, v45  }
0x1e1: {  	v61 =	vld [tilespmem:$0x1FEC0]  }
0x1e2: {  	v58 =	vadd.f32 v62, v45;
	v62 =	vld [tilespmem:$0x1FED0]  }
0x1e3: {  	v46 =	vadd.f32 v63, v46;
	v63 =	vld [tilespmem:$0x1FEE0]  }
0x1e4: {  	v8 =	vadd.f32 v60, v58;
	v58 =	vld [tilespmem:$0x1FF00]  }
0x1e5: {  	v60 =	vld [tilespmem:$0x1FF20]  }
0x1e6: {  	v45 =	vadd.f32 v59, v46;
	v46 =	vld [tilespmem:$0x5600]  }
0x1e7: {  	v5 =	vadd.f32 v30, v5;
	v59 =	vld [tilespmem:$0x1FF10]  }
0x1e8: {  	v22 =	vadd.f32 v61, v45;
	v45 =	vld [tilespmem:$0x5720]  }
0x1e9: {  	v61 =	vadd.f32 v31, v5;
	v31 =	vld [tilespmem:$0x5B10]  }
0x1ea: {  	v8 =	vadd.f32 v62, v8;
	v62 =	vld [tilespmem:$0x1FF30]  }
0x1eb: {  	v5 =	vld [tilespmem:$0x5BA0]  }
0x1ec: {  	v9 =	vadd.f32 v63, v22;
	v22 =	vld [tilespmem:$0x5840]  }
0x1ed: {  	v63 =	vld [tilespmem:$0x1FF40]  }
0x1ee: {  	v12 =	vadd.f32 v24, v61;
	v24 =	vld [tilespmem:$0x5C30]  }
0x1ef: {  	v8 =	vadd.f32 v55, v8;
	v55 =	vld [tilespmem:$0x1FF50]  }
0x1f0: {  	v61 =	vld [tilespmem:$0x1FF90]  }
0x1f1: {  	v9 =	vadd.f32 v58, v9;
	v58 =	vld [tilespmem:$0x1FF60]  }
0x1f2: {  	v8 =	vadd.f32 v59, v8;
	v59 =	vld [tilespmem:$0x1FF70]  }
0x1f3: {  	v30 =	vadd.f32 v60, v9;
	v9 =	vld [tilespmem:$0x5A80]  }
0x1f4: {  	v12 =	vadd.f32 v28, v12;
	v60 =	vld [tilespmem:$0x1FF80]  }
0x1f5: {  	v8 =	vadd.f32 v62, v8;
	v62 =	vld [tilespmem:$0x1FFA0]  }
0x1f6: {  	v12 =	vadd.f32 v29, v12;
	v29 =	vld [tilespmem:$0x4D10]  }
0x1f7: {  	v30 =	vadd.f32 v63, v30;
	v63 =	vld [tilespmem:$0x1FFB0]  }
0x1f8: {  	v8 =	vadd.f32 v55, v8;
	v55 =	vld [tilespmem:$0x1FFC0]  }
0x1f9: {  	v12 =	vadd.f32 v32, v12;
	v32 =	vld [tilespmem:$0x4E30]  }
0x1fa: {  	v30 =	vadd.f32 v58, v30;
	v58 =	vld [tilespmem:$0x4EC0]  }
0x1fb: {  	v8 =	vadd.f32 v59, v8;
	v59 =	vld [tilespmem:$0x1FFD0]  }
0x1fc: {  	v28 =	vadd.f32 v60, v30;
	v30 =	vld [tilespmem:$0x4BF0]  }
0x1fd: {  	v12 =	vadd.f32 v33, v12;
	v60 =	vadd.f32 $0.0e+00, v38;
	v38 =	vld [tilespmem:$0x4F50]  }
0x1fe: {  	v8 =	vadd.f32 v61, v8;
	v61 =	vld [tilespmem:$0x4FE0]  }
0x1ff: {  	v12 =	vadd.f32 v34, v12;
	v34 =	vld [tilespmem:$0x5070]  }
0x200: {  	v28 =	vadd.f32 v62, v28;
	v62 =	vld [tilespmem:$0x1FFE0];
	v33 =	vadd.f32 v40, v60  }
0x201: {  	v8 =	vadd.f32 v63, v8;
	v63 =	vld [tilespmem:$0x5100]  }
0x202: {  	v40 =	vadd.f32 $0.0e+00, v37;
	v37 =	vld [tilespmem:$0x5190];
	v33 =	vadd.f32 v43, v33  }
0x203: {  	v13 =	vadd.f32 v21, v13;
	v60 =	vld [tilespmem:$0x5580]  }
0x204: {  	v15 =	vadd.f32 v58, v15;
	v58 =	vld [tilespmem:$0x5460];
	v33 =	vadd.f32 v42, v33  }
0x205: {  	v12 =	vadd.f32 v35, v12;
	v35 =	vadd.f32 v39, v40;
	v39 =	vld [tilespmem:$0x52B0]  }
0x206: {  	v28 =	vadd.f32 v55, v28;
	v55 =	vld [tilespmem:$0x53D0];
	v33 =	vadd.f32 v48, v33  }
0x207: {  	v8 =	vadd.f32 v59, v8;
	v59 =	vld [tilespmem:$0x54F0];
	v30 =	vadd.f32 $0.0e+00, v30  }
0x208: {  	v43 =	vadd.f32 v41, v35;
	v41 =	vld [tilespmem:$0x57C0];
	v33 =	vadd.f32 v51, v33  }
0x209: {  	v15 =	vadd.f32 v61, v15;
	v42 =	vld [tilespmem:$0x5850];
	v28 =	vadd.f32 v62, v28  }
0x20a: {  	v29 =	vadd.f32 v29, v30;
	v62 =	vld [tilespmem:$0x5610];
	v61 =	vadd.f32 v50, v33  }
0x20b: {  	v15 =	vadd.f32 v63, v15;
	v63 =	vld [tilespmem:$0x56A0];
	v21 =	vadd.f32 v44, v43  }
0x20c: {  	v44 =	vld [tilespmem:$0x1FFF0];
	v29 =	vadd.f32 v32, v29;
	v30 =	vadd.f32 v36, v61  }
0x20d: {  	v43 =	vld [tilespmem:$0x58E0];
	v15 =	vadd.f32 v20, v15;
	v21 =	vadd.f32 v47, v21  }
0x20e: {  	[tilespmem:$0x49A0] =	vst v6;
	v20 =	vld [tilespmem:$0x4810];
	v29 =	vadd.f32 v38, v29;
	v23 =	vadd.f32 v23, v30  }
0x20f: {  	v32 =	vld [tilespmem:$0x49A0];
	v15 =	vadd.f32 v16, v15;
	v21 =	vadd.f32 v49, v21  }
0x210: {  	v47 =	vld [tilespmem:$0x5970];
	v29 =	vadd.f32 v34, v29;
	v23 =	vadd.f32 v25, v23  }
0x211: {  	v51 =	vld [tilespmem:$0x5A90];
	[tilespmem:$0x4A80] =	vst v44;
	v15 =	vadd.f32 v58, v15;
	v21 =	vadd.f32 v52, v21  }
0x212: {  	v48 =	vld [tilespmem:$0x4A80];
	v29 =	vadd.f32 v37, v29;
	v23 =	vadd.f32 v26, v23  }
0x213: {  	[tilespmem:$0x4AA0] =	vst v2;
	v49 =	vld [tilespmem:$0x5A00];
	v15 =	vadd.f32 v60, v15;
	v21 =	vadd.f32 v53, v21  }
0x214: {  	[tilespmem:$0x4A90] =	vst v1;
	v58 =	vld [tilespmem:$0x4AA0];
	v50 =	vadd.f32 v39, v29;
	v23 =	vadd.f32 v27, v23  }
0x215: {  	v52 =	vld [tilespmem:$0x4A90];
	v15 =	vadd.f32 v63, v15;
	v21 =	vadd.f32 v54, v21  }
0x216: {  	[tilespmem:$0x4AB0] =	vst v3;
	v36 =	vld [tilespmem:$0x5730];
	v1 =	vadd.f32 v55, v50;
	v11 =	vadd.f32 v11, v23  }
0x217: {  	v61 =	vld [tilespmem:$0x4AB0];
	(erf) = vrcp.f32 v48;
	v15 =	vadd.f32 v41, v15;
	v21 =	vadd.f32 v46, v21  }
0x218: {  	v60 =	vld [tilespmem:$0x5D60];
	v1 =	vadd.f32 v59, v1;
	v59 =	vadd.f32 v31, v11  }
0x219: {  	v0 =	vadd.f32 v0, v12;
	[tilespmem:$0x4AC0] =	vst v28;
	v38 =	vlaneseq.u32;
	v53 =	vld [tilespmem:$0x5B20];
	v54 =	vadd.f32 v45, v21  }
0x21a: {  	v63 =	vld [tilespmem:$0x4AC0];
	(erf) = vrcp.f32 v52;
	v15 =	vadd.f32 v43, v15;
	v3 =	vadd.f32 v24, v59  }
0x21b: {  	[tilespmem:$0x4980] =	vst v57;
	v55 =	vld [tilespmem:$0x5C40];
	(erf) = vrcp.f32 v58;
	v1 =	vadd.f32 v62, v1;
	v2 =	vadd.f32 v22, v54  }
0x21c: {  	[tilespmem:$0x4AD0] =	vst v13;
	v34 =	vlaneseq.u32;
	v62 =	vld [tilespmem:$0x4980];
	v15 =	vadd.f32 v49, v15;
	v3 =	vadd.f32 v14, v3  }
0x21d: {  	[tilespmem:$0x4990] =	vst v56;
	v35 =	vadd.s32 $0xFFFFFFFF, v34;
	v23 =	vld [tilespmem:$0x4AD0];
	v1 =	vadd.f32 v36, v1;
	v2 =	vadd.f32 v10, v2  }
0x21e: {  	(v2sf) =	vpush v20, $0xF;
	(erf) = vrcp.f32 v61;
	v22 =	vadd.f32 v53, v15;
	v24 =	vld [tilespmem:$0x4990];
	[tilespmem:$0x4AE0] =	vst v3  }
0x21f: {  	v37 =	vadd.s32 $0xF, v34;
	v1 =	vadd.f32 v42, v1;
	v2 =	vadd.f32 v9, v2;
	v28 =	vld [tilespmem:$0x4AE0]  }
0x220: {  	v30 =	vld [tilespmem:$0x5BB0];
	v31 =	vbroadcast v20, $0xF;
	v26 =	vadd.f32 v55, v22;
	v27 =	vpop (erf);
	(erf) = vrcp.f32 v63  }
0x221: {  	v42 =	vadd.s32 $0x1F, v38;
	v1 =	vadd.f32 v47, v1;
	v2 =	vadd.f32 v5, v2  }
0x222: {  	[tilespmem:$0x49B0] =	vst v7;
	v33 =	vld [tilespmem:$0x5CD0];
	v29 =	vmul.f32 v27, v62;
	(erf) = vrcp.f32 v23;
	v5 =	vadd.f32 v60, v26  }
0x223: {  	v39 =	vld [tilespmem:$0x49B0];
	vm0 =	vgt.s32 v31, v35;
	v36 =	vpop (erf);
	v1 =	vadd.f32 v51, v1;
	v2 =	vadd.f32 v4, v2  }
0x224: {  	[tilespmem:$0x49C0] =	vst v8;
	v40 =	vpop (erf);
	v4 =	vadd.f32 $0.0e+00, v29;
	v3 =	vmul.f32 v36, v24;
	(erf) = vrcp.f32 v28  }
0x225: {  	v8 =	vld [tilespmem:$0x49C0];
	vm9 =	vgt.s32 v31, v37;
	v41 =	vmul.f32 v40, v32;
	v1 =	vadd.f32 v30, v1  }
0x226: {  	[tilespmem:$0x49D0] =	vst v0;
	v4 =	vnsel vm0, $0x0, v4;
	v3 =	vnsel vm9, $0x0, v3;
	(erf) = vrcp.f32 v5  }
0x227: {  	v44 =	vld [tilespmem:$0x49D0];
	v46 =	vadd.s32 $0x2F, v38;
	vm10 =	vgt.s32 v31, v42;
	v43 =	vpop (erf);
	v3 =	vadd.f32 v3, v4  }
0x228: {  	v45 =	vmul.f32 v43, v39;
	v0 =	vnsel vm10, $0x0, v41;
	[tilespmem:$0x49E0] =	vst v2;
	v1 =	vadd.f32 v33, v1  }
0x229: {  	vm11 =	vgt.s32 v31, v46;
	v48 =	vld [tilespmem:$0x49E0];
	v47 =	vpop (erf);
	v0 =	vadd.f32 v0, v3  }
0x22a: {  	v51 =	vadd.s32 $0x3F, v38;
	v49 =	vnsel vm11, $0x0, v45;
	[tilespmem:$0x49F0] =	vst v1;
	v50 =	vmul.f32 v47, v8  }
0x22b: {  	vm12 =	vgt.s32 v31, v51;
	v52 =	vpop (erf);
	v53 =	vld [tilespmem:$0x49F0];
	v0 =	vadd.f32 v49, v0  }
0x22c: {  	v54 =	vadd.s32 $0x4F, v38;
	v4 =	vmul.f32 v52, v44;
	v2 =	vnsel vm12, $0x0, v50  }
0x22d: {  	vm13 =	vgt.s32 v31, v54;
	v0 =	vadd.f32 v2, v0;
	v55 =	vpop (erf)  }
0x22e: {  	v57 =	vadd.s32 $0x5F, v38;
	v56 =	vnsel vm13, $0x0, v4;
	v3 =	vmul.f32 v55, v48  }
0x22f: {  	vm14 =	vgt.s32 v31, v57;
	v0 =	vadd.f32 v56, v0;
	v58 =	vpop (erf)  }
0x230: {  	v60 =	vadd.s32 $0x6F, v38;
	v1 =	vmul.f32 v53, v58;
	v59 =	vnsel vm14, $0x0, v3  }
0x231: {  	vm15 =	vgt.s32 v31, v60;
	v0 =	vadd.f32 v59, v0  }
0x232: {  	v1 =	vnsel vm15, $0x0, v1  }
0x233: {  	v0 =	vadd.f32 v0, v1;
	_ =	sdelay $0x1  }
0x234: {  	s30 =	spop (v2sf);
	(xrf2) =	vadd.scan.msk.f32 $0xffff, v0  }
0x235: {  	s5 =	sadd.s32 $0x1, s30  }
0x236: {  	s5 =	scvt.s32.f32 s5;
	_ =	sdelay $0x1  }
0x237: {  	v61 =	vmov s5  }
0x238: {  	(erf) = vrcp.f32 v61;
	_ =	sdelay $0x4  }
0x239: {  	v62, _, _ =	vpop (xrf2)  }
0x23a: {  	v0 =	vadd.f32 $0.0e+00, v62;
	_ =	sdelay $0x1  }
0x23b: {  	v0 =	vbroadcast v0, $0xF  }
0x23c: {  	v63 =	vpop (erf)  }
0x23d: {  	v0 =	vmul.f32 v0, v63;
	_ =	sdelay $0x1  }
0x23e: {  	v0 =	vmul.f32 $1.000000000e+04, v0  }
0x23f: {  	[tilespmem:$0x4AF0] =	vst v5  }
.Ltmp2:
0x240: {  	s31 =	simm.s32 $0x5D80;
	[tilespmem:$0x5D80] =	vst v0;
	(pc) =	sbr.rel .LBB2_7-.Ltmp2, $4  }
0x241: {  	[hbm4b:s2+s22] =	stream.linear.scatter [tilespmem:s31], [sflag:$0x4], $0x80, $0x38;
	[tilespmem:$0x5F20] =	vst v63  }
0x242: {  	_ =	swait.ge [sflag:s28], $0x80  }
0x243: {  	[sflag:s28] =	ssyncset.done $0x0  }
0x244: {  	[sflag:s28] =	ssyncadd.s32 $0xFFFFFF80  }
.LBB2_1:
0x245: {  	s6 =	smul.u32 $0x310, s1;
	_ =	sdelay $0x1  }
0x246: {  	s2 =	sadd.s32 s9, s6  }
0x247: {  	[tilespmem:s3], [sflag:$0x1] =	stream.linear.gather [hbm4b:s2+s3], $0x1880, $0x38;
	[tilespmem:$0x5F20] =	vst v63  }
0x248: {  	s7 =	sadd.s32 s7, s6;
	s2 =	simm.s32 $0x1880  }
0x249: {  	[tilespmem:s2], [sflag:$0x2] =	stream.linear.gather [hbm4b:s7+s3], $0x1880, $0x38;
	[tilespmem:$0x5F20] =	vst v63  }
0x24a: {  	s25 =	simm.s32 $0x1;
	s24 =	sadd.s32 s8, s6;
	s6 =	simm.s32 $0x3100  }
0x24b: {  	[tilespmem:s6], [sflag:$0x3] =	stream.linear.gather [hbm4b:s24+s3], $0x1880, $0x38;
	[tilespmem:$0x5F20] =	vst v63  }
0x24c: {  	_ =	swait.ge [sflag:s25], $0x1880  }
0x24d: {  	v0 =	vlaneseq.u32;
	[sflag:s25] =	ssyncset.done $0x0  }
0x24e: {  	s26 =	simm.s32 $0x2;
	v0 =	vmul.u32 $0x188, v0;
	[sflag:s25] =	ssyncadd.s32 $0xFFFFE780  }
0x24f: {  	_ =	swait.ge [sflag:s26], $0x1880  }
0x250: {  	v1 =	vadd.s32 s3, v0;
	[sflag:s26] =	ssyncset.done $0x0  }
0x251: {  	s28 =	simm.s32 $0x3;
	[sflag:s26] =	ssyncadd.s32 $0xFFFFE780  }
0x252: {  	_ =	swait.ge [sflag:s28], $0x1880  }
0x253: {  	[sflag:s28] =	ssyncset.done $0x0  }
0x254: {  	[sflag:s28] =	ssyncadd.s32 $0xFFFFE780  }
0x255: {  	v2 =	vld.idx.msk [tilespmem:v1+s3+$0x0], $0xffff  }
0x256: {  	v3 =	vld.idx.msk [tilespmem:v1+s2+$0x0], $0xffff;
	_ =	sdelay $0x1  }
0x257: {  	v4 =	vld.idx.msk [tilespmem:v1+s6+$0x0], $0xffff;
	_ =	sdelay $0x2  }
0x258: {  	v1 =	vmul.f32 v2, v2;
	v2 =	vmul.f32 v3, v3  }
0x259: {  	s29 =	simm.s32 $0x1  }
0x25a: {  	v1 =	vsub.f32 v1, v2;
	v2 =	vadd.s32 s29, v0;
	_ =	sdelay $0x1  }
0x25b: {  	s7 =	simm.s32 $0x4980;
	v3 =	vand.u32 $0x7FFFFFFF, v1  }
0x25c: {  	s8 =	simm.s32 $0x4A80;
	v1 =	vimm.f32 $1.000000000e+00;
	[tilespmem:v4+s7+$0x0] =	vst.idx.add.f32.msk $0xffff, v3  }
0x25d: {  	[tilespmem:v4+s8+$0x0] =	vst.idx.add.f32.msk $0xffff, v1  }
0x25e: {  	v3 =	vld.idx.msk [tilespmem:v2+s3+$0x0], $0xffff  }
0x25f: {  	v4 =	vld.idx.msk [tilespmem:v2+s2+$0x0], $0xffff;
	_ =	sdelay $0x1  }
0x260: {  	v2 =	vld.idx.msk [tilespmem:v2+s6+$0x0], $0xffff;
	_ =	sdelay $0x2  }
0x261: {  	v3 =	vmul.f32 v3, v3;
	v4 =	vmul.f32 v4, v4  }
0x262: {  	s30 =	simm.s32 $0x2  }
0x263: {  	v3 =	vsub.f32 v3, v4;
	v4 =	vadd.s32 s30, v0;
	_ =	sdelay $0x1  }
0x264: {  	v3 =	vand.u32 $0x7FFFFFFF, v3  }
0x265: {  	[tilespmem:v2+s7+$0x0] =	vst.idx.add.f32.msk $0xffff, v3  }
0x266: {  	[tilespmem:v2+s8+$0x0] =	vst.idx.add.f32.msk $0xffff, v1  }
0x267: {  	v2 =	vld.idx.msk [tilespmem:v4+s3+$0x0], $0xffff  }
0x268: {  	v3 =	vld.idx.msk [tilespmem:v4+s2+$0x0], $0xffff;
	_ =	sdelay $0x1  }
0x269: {  	v4 =	vld.idx.msk [tilespmem:v4+s6+$0x0], $0xffff;
	_ =	sdelay $0x2  }
0x26a: {  	v2 =	vmul.f32 v2, v2;
	v3 =	vmul.f32 v3, v3  }
0x26b: {  	s31 =	simm.s32 $0x3  }
0x26c: {  	v2 =	vsub.f32 v2, v3;
	v3 =	vadd.s32 s31, v0;
	_ =	sdelay $0x1  }
0x26d: {  	v2 =	vand.u32 $0x7FFFFFFF, v2  }
0x26e: {  	[tilespmem:v4+s7+$0x0] =	vst.idx.add.f32.msk $0xffff, v2  }
0x26f: {  	[tilespmem:v4+s8+$0x0] =	vst.idx.add.f32.msk $0xffff, v1  }
0x270: {  	v4 =	vld.idx.msk [tilespmem:v3+s3+$0x0], $0xffff  }
0x271: {  	v5 =	vld.idx.msk [tilespmem:v3+s2+$0x0], $0xffff;
	_ =	sdelay $0x1  }
0x272: {  	v2 =	vld.idx.msk [tilespmem:v3+s6+$0x0], $0xffff;
	_ =	sdelay $0x2  }
0x273: {  	s10 =	simm.s32 $0x8;
	s9 =	simm.s32 $0x4;
	v3 =	vmul.f32 v4, v4;
	v4 =	vmul.f32 v5, v5  }
.LBB2_2:
0x274: {  	p0 =	slt.u32 s10, $0x184;
	v5 =	vadd.s32 s9, v0;
	s11 =	smov.u32 s10;
	s10 =	sadd.s32 $0x4, s10  }
0x275: {  	v3 =	vsub.f32 v3, v4;
	_ =	sdelay $0x1  }
0x276: {  	v3 =	vand.u32 $0x7FFFFFFF, v3  }
0x277: {  	[tilespmem:v2+s7+$0x0] =	vst.idx.add.f32.msk $0xffff, v3  }
0x278: {  	[tilespmem:v2+s8+$0x0] =	vst.idx.add.f32.msk $0xffff, v1  }
0x279: {  	v2 =	vld.idx.msk [tilespmem:v5+s3+$0x0], $0xffff  }
0x27a: {  	v3 =	vld.idx.msk [tilespmem:v5+s2+$0x0], $0xffff;
	_ =	sdelay $0x2  }
0x27b: {  	v4 =	vld.idx.msk [tilespmem:v5+s6+$0x0], $0xffff;
	_ =	sdelay $0x2  }
0x27c: {  	v2 =	vmul.f32 v2, v2;
	v3 =	vmul.f32 v3, v3  }
0x27d: {  	s12 =	sadd.s32 $0x1, s9  }
0x27e: {  	v2 =	vsub.f32 v2, v3;
	v3 =	vadd.s32 s12, v0;
	_ =	sdelay $0x1  }
0x27f: {  	v2 =	vand.u32 $0x7FFFFFFF, v2  }
0x280: {  	[tilespmem:v4+s7+$0x0] =	vst.idx.add.f32.msk $0xffff, v2  }
0x281: {  	[tilespmem:v4+s8+$0x0] =	vst.idx.add.f32.msk $0xffff, v1  }
0x282: {  	v2 =	vld.idx.msk [tilespmem:v3+s3+$0x0], $0xffff  }
0x283: {  	v4 =	vld.idx.msk [tilespmem:v3+s2+$0x0], $0xffff;
	_ =	sdelay $0x2  }
0x284: {  	v3 =	vld.idx.msk [tilespmem:v3+s6+$0x0], $0xffff;
	_ =	sdelay $0x2  }
0x285: {  	v2 =	vmul.f32 v2, v2;
	v4 =	vmul.f32 v4, v4  }
0x286: {  	s12 =	sadd.s32 $0x2, s9  }
0x287: {  	v2 =	vsub.f32 v2, v4;
	v4 =	vadd.s32 s12, v0;
	_ =	sdelay $0x1  }
0x288: {  	v2 =	vand.u32 $0x7FFFFFFF, v2  }
0x289: {  	[tilespmem:v3+s7+$0x0] =	vst.idx.add.f32.msk $0xffff, v2  }
0x28a: {  	[tilespmem:v3+s8+$0x0] =	vst.idx.add.f32.msk $0xffff, v1  }
0x28b: {  	v2 =	vld.idx.msk [tilespmem:v4+s3+$0x0], $0xffff  }
0x28c: {  	v3 =	vld.idx.msk [tilespmem:v4+s2+$0x0], $0xffff;
	_ =	sdelay $0x2  }
0x28d: {  	v4 =	vld.idx.msk [tilespmem:v4+s6+$0x0], $0xffff;
	_ =	sdelay $0x1  }
0x28e: {  	v2 =	vmul.f32 v2, v2  }
0x28f: {  	v3 =	vmul.f32 v3, v3  }
0x290: {  	s12 =	sadd.s32 $0x3, s9;
	s9 =	smov.u32 s11  }
0x291: {  	v2 =	vsub.f32 v2, v3;
	v3 =	vadd.s32 s12, v0;
	_ =	sdelay $0x1  }
0x292: {  	v2 =	vand.u32 $0x7FFFFFFF, v2  }
0x293: {  	[tilespmem:v4+s7+$0x0] =	vst.idx.add.f32.msk $0xffff, v2  }
0x294: {  	[tilespmem:v4+s8+$0x0] =	vst.idx.add.f32.msk $0xffff, v1  }
0x295: {  	v4 =	vld.idx.msk [tilespmem:v3+s3+$0x0], $0xffff  }
0x296: {  	v5 =	vld.idx.msk [tilespmem:v3+s2+$0x0], $0xffff  }
0x297: {  	v2 =	vld.idx.msk [tilespmem:v3+s6+$0x0], $0xffff  }
.Ltmp3:
0x298: {  	(pc) =	sbr.rel @p0 .LBB2_2-.Ltmp3, $3  }
0x299: {  	_ =	sdelay $0x1  }
0x29a: {  	v3 =	vmul.f32 v4, v4  }
0x29b: {  	v4 =	vmul.f32 v5, v5  }
0x29c: {  	_ = 	snop  }
0x29d: {  	v5 =	vadd.s32 s9, v0;
	v3 =	vsub.f32 v3, v4;
	_ =	sdelay $0x1  }
0x29e: {  	v3 =	vand.u32 $0x7FFFFFFF, v3  }
0x29f: {  	[tilespmem:v2+s7+$0x0] =	vst.idx.add.f32.msk $0xffff, v3  }
0x2a0: {  	[tilespmem:v2+s8+$0x0] =	vst.idx.add.f32.msk $0xffff, v1  }
0x2a1: {  	v2 =	vld.idx.msk [tilespmem:v5+s3+$0x0], $0xffff  }
0x2a2: {  	v3 =	vld.idx.msk [tilespmem:v5+s2+$0x0], $0xffff;
	_ =	sdelay $0x1  }
0x2a3: {  	v59 =	vld.idx.msk [tilespmem:v5+s6+$0x0], $0xffff;
	_ =	sdelay $0x2  }
0x2a4: {  	v2 =	vmul.f32 v2, v2;
	v3 =	vmul.f32 v3, v3  }
0x2a5: {  	s10 =	sadd.s32 $0x1, s9  }
0x2a6: {  	v60 =	vadd.s32 s10, v0;
	v2 =	vsub.f32 v2, v3;
	_ =	sdelay $0x1  }
0x2a7: {  	v2 =	vand.u32 $0x7FFFFFFF, v2  }
0x2a8: {  	[tilespmem:v59+s7+$0x0] =	vst.idx.add.f32.msk $0xffff, v2  }
0x2a9: {  	[tilespmem:v59+s8+$0x0] =	vst.idx.add.f32.msk $0xffff, v1  }
0x2aa: {  	v2 =	vld.idx.msk [tilespmem:v60+s3+$0x0], $0xffff  }
0x2ab: {  	v4 =	vld.idx.msk [tilespmem:v60+s2+$0x0], $0xffff;
	_ =	sdelay $0x1  }
0x2ac: {  	v3 =	vld.idx.msk [tilespmem:v60+s6+$0x0], $0xffff;
	_ =	sdelay $0x2  }
0x2ad: {  	v2 =	vmul.f32 v2, v2;
	v4 =	vmul.f32 v4, v4  }
0x2ae: {  	s26 =	sadd.s32 $0x2, s9  }
0x2af: {  	v61 =	vadd.s32 s26, v0;
	v2 =	vsub.f32 v2, v4;
	_ =	sdelay $0x1  }
0x2b0: {  	v2 =	vand.u32 $0x7FFFFFFF, v2  }
0x2b1: {  	[tilespmem:v3+s7+$0x0] =	vst.idx.add.f32.msk $0xffff, v2  }
0x2b2: {  	[tilespmem:v3+s8+$0x0] =	vst.idx.add.f32.msk $0xffff, v1  }
0x2b3: {  	v2 =	vld.idx.msk [tilespmem:v61+s3+$0x0], $0xffff  }
0x2b4: {  	v3 =	vld.idx.msk [tilespmem:v61+s2+$0x0], $0xffff;
	_ =	sdelay $0x1  }
0x2b5: {  	v4 =	vld.idx.msk [tilespmem:v61+s6+$0x0], $0xffff;
	_ =	sdelay $0x2  }
0x2b6: {  	v2 =	vmul.f32 v2, v2;
	v3 =	vmul.f32 v3, v3  }
0x2b7: {  	s28 =	sadd.s32 $0x3, s9  }
0x2b8: {  	v62 =	vadd.s32 s28, v0;
	v2 =	vsub.f32 v2, v3;
	_ =	sdelay $0x1  }
0x2b9: {  	v2 =	vand.u32 $0x7FFFFFFF, v2  }
0x2ba: {  	[tilespmem:v4+s7+$0x0] =	vst.idx.add.f32.msk $0xffff, v2  }
0x2bb: {  	[tilespmem:v4+s8+$0x0] =	vst.idx.add.f32.msk $0xffff, v1  }
0x2bc: {  	v2 =	vld.idx.msk [tilespmem:v62+s3+$0x0], $0xffff  }
0x2bd: {  	v63 =	vld.idx.msk [tilespmem:v62+s2+$0x0], $0xffff;
	_ =	sdelay $0x1  }
0x2be: {  	v0 =	vld.idx.msk [tilespmem:v62+s6+$0x0], $0xffff;
	_ =	sdelay $0x2  }
0x2bf: {  	v2 =	vmul.f32 v2, v2;
	v3 =	vmul.f32 v63, v63;
	_ =	sdelay $0x1  }
0x2c0: {  	v2 =	vsub.f32 v2, v3;
	_ =	sdelay $0x1  }
0x2c1: {  	v2 =	vand.u32 $0x7FFFFFFF, v2  }
0x2c2: {  	[tilespmem:v0+s7+$0x0] =	vst.idx.add.f32.msk $0xffff, v2  }
0x2c3: {  	s29 =	simm.s32 $0x4980;
	s30 =	simm.s32 $0x4;
	[tilespmem:v0+s8+$0x0] =	vst.idx.add.f32.msk $0xffff, v1  }
0x2c4: {  	[spmem:s4] =	stream.linear.scatter [tilespmem:s29], [sflag:$0x4], $0x90, $0x38;
	[tilespmem:$0x5F20] =	vst v63  }
0x2c5: {  	_ =	swait.ge [sflag:s30], $0x90  }
0x2c6: {  	[sflag:s30] =	ssyncset.done $0x0  }
0x2c7: {  	s31 =	simm.s32 $0x4A80;
	[sflag:s30] =	ssyncadd.s32 $0xFFFFFF70  }
0x2c8: {  	[spmem:s5] =	stream.linear.scatter [tilespmem:s31], [sflag:$0x4], $0x90, $0x38;
	[tilespmem:$0x5F20] =	vst v63  }
0x2c9: {  	_ =	swait.ge [sflag:s30], $0x90  }
0x2ca: {  	[sflag:s30] =	ssyncset.done $0x0  }
0x2cb: {  	[sflag:s30] =	ssyncadd.s32 $0xFFFFFF70  }
0x2cc: {  	[bflag:$0x0] =	sbarrier.arrive $0xFFFF  }
.LBB2_7:
0x2cd: {  	_ =	sfence.sel $0x180000  }
0x2ce: {  	[bflag:$0x0] =	sbarrier.arrive $0xFFFF  }
0x2cf: {  	p0 =	sne.s32 s1, $0x0;
	_ =	strace $0x90000047  }
0x2d0: {  	s0 =	sadd.s32 @!p0 $0x100000, s0;
	[bflag:$0x2] =	sbarrier.arrive $0xFFFF  }
0x2d1: {  	[sflag:s0] =	ssyncadd.tile.s32 @!p0 $0x1;
	_ =	shalt  }
.Lfunc_end2:
_tile_overlayer_lowered:
.L_overlay_start_2:
0x2d2: {  	(tag) =	ssettag $0x2  }
0x2d3: {  	s0 =	rddreg [dreg:$0x0];
	s2 =	stileid.u32  }
0x2d4: {  	s1 =	rddreg [dreg:$0x1];
	p0 =	sne.s32 s2, $0x0  }
0x2d5: {  	s3 =	rddreg [dreg:$0x2];
	[bflag:$0x3] =	sbarrier.arrive $0xFFFF;
	s2 =	simm.s32 @!p0 $0x1C04  }
0x2d6: {  	[timem:s3], [sflag:s2] =	dma.local @!p0 [hbm:s0], s1  }
0x2d7: {  	s0 =	simm.s32 @!p0 $0x4  }
0x2d8: {  	_ =	swait.ge @!p0 [sflag:s0], s1  }
0x2d9: {  	s1 =	ssub.s32 @!p0 $0x0, s1;
	[sflag:s0] =	ssyncset.done @!p0 $0x0  }
0x2da: {  	[sflag:s0] =	ssyncadd.s32 @!p0 s1  }
0x2db: {  	[bflag:$0x3] =	sbarrier.arrive $0xFFFF  }
0x2dc: {  	_ =	shalt  }

</sc_bundles>
